<compile_context>
chip_gen: v7x
topology: tpu7x:2x2x1
jax: 0.10.2.dev20260603
libtpu: 0.0.44.dev20260713+nightly
codegen_flags: <defaults>
</compile_context>

<pallas_src>
import functools

import jax
import jax.numpy as jnp
from jax import lax
from jax.experimental import pallas as pl
from jax.experimental.pallas import tpu as pltpu
from jax.experimental.pallas import tpu_sc as plsc

N = 10000
E = 320000
IN_FEATS = 128
EDGE_FEATS = 16
H = 4
D = 32
HD = H * D

NC = 2
NS = 16
L = 16
NW = NC * NS
C = 48
E_PAD = ((E + NW * C - 1) // (NW * C)) * (NW * C)
EW = E_PAD // NW
NCHUNK = EW // C
NPS = 624
NTL = N - NPS * NS


def _node_body(x_ref, wq_ref, wk_ref, wv_ref, waug_ref,
               bq_ref, bk_ref, bv_ref, kv_ref, qgc_ref):
    xb = x_ref[...]
    k = jnp.dot(xb, wk_ref[...].T, preferred_element_type=jnp.float32) + bk_ref[...]
    v = jnp.dot(xb, wv_ref[...].T, preferred_element_type=jnp.float32) + bv_ref[...]
    kv_ref[...] = jnp.concatenate([k, v], axis=1)
    qs = (jnp.dot(xb, wq_ref[...].T, preferred_element_type=jnp.float32)
          + bq_ref[...]) * jnp.float32(D ** -0.5)
    waug = waug_ref[...]
    cols = [qs]
    for h in range(H):
        gh = jnp.dot(qs[:, h * D:(h + 1) * D], waug[h * D:(h + 1) * D, :],
                     preferred_element_type=jnp.float32)
        cols.append(gh)
        cols.append(jnp.zeros((qs.shape[0], 32 - 17), jnp.float32))
    qgc_ref[...] = jnp.concatenate(cols, axis=1)


def _edge_body(kv_hbm, qgc_hbm, eaa_hbm, src_hbm, dst_hbm, zo_hbm, zd_hbm,
               out_hbm, den_hbm,
               src_v, dst_v, kv_v, qgc_v, ea_v, msg_v, pden_v, pw_v,
               out_s, den_s, sem1, sem2):
    cid = lax.axis_index("c")
    sid = lax.axis_index("s")
    wid = sid * NC + cid

    zero16 = jnp.zeros((L,), jnp.float32)

    pltpu.sync_copy(zo_hbm.at[pl.ds(sid * NPS, NPS)],
                    out_s.at[pl.ds(sid * NPS, NPS)])
    pltpu.sync_copy(zd_hbm.at[pl.ds(sid * NPS, NPS)],
                    den_s.at[pl.ds(sid * NPS, NPS)])

    @pl.when(sid == NS - 1)
    def _zero_tail():
        pltpu.sync_copy(zo_hbm.at[pl.ds(NPS * NS, NTL)],
                        out_s.at[pl.ds(NPS * NS, NTL)])
        pltpu.sync_copy(zd_hbm.at[pl.ds(NPS * NS, NTL)],
                        den_s.at[pl.ds(NPS * NS, NTL)])

    def _zp(i, _):
        pden_v[i, :] = zero16
        return 0
    lax.fori_loop(0, C, _zp, 0)

    plsc.subcore_barrier()

    lanes = lax.iota(jnp.int32, L)

    def chunk(i, _):
        base = wid * EW + i * C
        pltpu.sync_copy(src_hbm.at[pl.ds(base, C)], src_v)
        pltpu.sync_copy(dst_hbm.at[pl.ds(base, C)], dst_v)
        pltpu.sync_copy(eaa_hbm.at[pl.ds(base, C)], ea_v)
        cp1 = pltpu.async_copy(kv_hbm.at[src_v], kv_v, sem1)
        cp2 = pltpu.async_copy(qgc_hbm.at[dst_v], qgc_v, sem2)
        cp1.wait()
        cp2.wait()

        for g in range(C // L):
            rows = g * L + lanes

            def qk(d, accs):
                out = []
                for h in range(H):
                    col = jnp.full((L,), h * D, jnp.int32) + d
                    kvec = plsc.load_gather(kv_v, [rows, col])
                    qvec = plsc.load_gather(qgc_v, [rows, col])
                    out.append(accs[h] + kvec * qvec)
                return tuple(out)
            accs = lax.fori_loop(0, D, qk, (zero16,) * H)

            def ge(f, accs):
                fcol = jnp.full((L,), 0, jnp.int32) + f
                evec = plsc.load_gather(ea_v, [rows, fcol])
                out = []
                for h in range(H):
                    gcol = jnp.full((L,), HD + h * D, jnp.int32) + f
                    gvec = plsc.load_gather(qgc_v, [rows, gcol])
                    out.append(accs[h] + gvec * evec)
                return tuple(out)
            accs = lax.fori_loop(0, EDGE_FEATS + 1, ge, accs)

            nf = plsc.load_gather(ea_v, [rows, jnp.full((L,), 17, jnp.int32)])
            valid = plsc.load_gather(ea_v, [rows, jnp.full((L,), 18, jnp.int32)])
            isnan = nf > jnp.float32(0.5)
            for h in range(H):
                a = jnp.where(isnan, jnp.float32(1e-9), accs[h])
                a = jnp.minimum(jnp.maximum(a, jnp.float32(-60.0)),
                                jnp.float32(60.0))
                p = jnp.exp(a) * valid
                pw = jnp.where(isnan, jnp.float32(0.0), p)
                plsc.store_scatter(pden_v, [rows, jnp.full((L,), h, jnp.int32)], p)
                plsc.store_scatter(pw_v, [rows * H + h], pw)

        def msg(c, _):
            for h in range(H):
                pwb = plsc.load_gather(pw_v, [jnp.full((L,), c * H + h, jnp.int32)])
                for j in range(2):
                    vvec = kv_v[c, pl.ds(HD + h * D + j * L, L)]
                    msg_v[c, pl.ds(h * D + j * L, L)] = vvec * pwb
            return 0
        lax.fori_loop(0, C, msg, 0)

        pltpu.sync_copy(pden_v, den_s.at[dst_v], add=True)
        pltpu.sync_copy(msg_v, out_s.at[dst_v], add=True)
        return 0

    lax.fori_loop(0, NCHUNK, chunk, 0)
    plsc.subcore_barrier()

    pltpu.sync_copy(out_s.at[pl.ds(sid * NPS, NPS)],
                    out_hbm.at[cid, pl.ds(sid * NPS, NPS)])
    pltpu.sync_copy(den_s.at[pl.ds(sid * NPS, NPS)],
                    den_hbm.at[cid, pl.ds(sid * NPS, NPS)])

    @pl.when(sid == NS - 1)
    def _publish_tail():
        pltpu.sync_copy(out_s.at[pl.ds(NPS * NS, NTL)],
                        out_hbm.at[cid, pl.ds(NPS * NS, NTL)])
        pltpu.sync_copy(den_s.at[pl.ds(NPS * NS, NTL)],
                        den_hbm.at[cid, pl.ds(NPS * NS, NTL)])


def _final_body(op_ref, dp_ref, x_ref, o_ref):
    acc = op_ref[0] + op_ref[1]
    den = dp_ref[0][:, :H] + dp_ref[1][:, :H]
    denb = jnp.broadcast_to(den[:, :, None], (den.shape[0], H, D))
    denb = denb.reshape(den.shape[0], HD)
    safe = denb > jnp.float32(0.0)
    o_ref[...] = jnp.where(safe, acc / denb, jnp.float32(0.0)) + x_ref[...]


def kernel(x, edge_index, edge_attr, nan_mask, Wq, bq, Wk, bk, Wv, bv, We, be):
    BN = 2000
    waug = jnp.concatenate([We, be[:, None]], axis=1)
    kv, qgc = pl.pallas_call(
        _node_body,
        grid=(N // BN,),
        in_specs=[
            pl.BlockSpec((BN, IN_FEATS), lambda i: (i, 0)),
            pl.BlockSpec((HD, IN_FEATS), lambda i: (0, 0)),
            pl.BlockSpec((HD, IN_FEATS), lambda i: (0, 0)),
            pl.BlockSpec((HD, IN_FEATS), lambda i: (0, 0)),
            pl.BlockSpec((HD, 17), lambda i: (0, 0)),
            pl.BlockSpec((1, HD), lambda i: (0, 0)),
            pl.BlockSpec((1, HD), lambda i: (0, 0)),
            pl.BlockSpec((1, HD), lambda i: (0, 0)),
        ],
        out_specs=[
            pl.BlockSpec((BN, 2 * HD), lambda i: (i, 0)),
            pl.BlockSpec((BN, 2 * HD), lambda i: (i, 0)),
        ],
        out_shape=[jax.ShapeDtypeStruct((N, 2 * HD), jnp.float32)] * 2,
    )(x, Wq, Wk, Wv, waug, bq[None, :], bk[None, :], bv[None, :])

    nanf = nan_mask.astype(jnp.float32)
    eaa = jnp.concatenate(
        [edge_attr, jnp.ones((E, 1), jnp.float32), nanf[:, None],
         jnp.ones((E, 1), jnp.float32),
         jnp.zeros((E, 13), jnp.float32)], axis=1)
    eaa = jnp.concatenate([eaa, jnp.zeros((E_PAD - E, 32), jnp.float32)], axis=0)
    srcp = jnp.concatenate([edge_index[0], jnp.zeros((E_PAD - E,), jnp.int32)])
    dstp = jnp.concatenate([edge_index[1], jnp.zeros((E_PAD - E,), jnp.int32)])

    mesh = plsc.VectorSubcoreMesh(core_axis_name="c", subcore_axis_name="s",
                                  num_cores=NC, num_subcores=NS)
    out_p, den_p = pl.kernel(
        _edge_body,
        out_type=[jax.ShapeDtypeStruct((NC, N, HD), jnp.float32),
                  jax.ShapeDtypeStruct((NC, N, L), jnp.float32)],
        mesh=mesh,
        compiler_params=pltpu.CompilerParams(use_tc_tiling_on_sc=False,
                                             needs_layout_passes=False),
        scratch_types=[
            pltpu.VMEM((C,), jnp.int32),
            pltpu.VMEM((C,), jnp.int32),
            pltpu.VMEM((C, 2 * HD), jnp.float32),
            pltpu.VMEM((C, 2 * HD), jnp.float32),
            pltpu.VMEM((C, 32), jnp.float32),
            pltpu.VMEM((C, HD), jnp.float32),
            pltpu.VMEM((C, L), jnp.float32),
            pltpu.VMEM((C * H,), jnp.float32),
            pltpu.VMEM_SHARED((N, HD), jnp.float32),
            pltpu.VMEM_SHARED((N, L), jnp.float32),
            pltpu.SemaphoreType.DMA,
            pltpu.SemaphoreType.DMA,
        ],
    )(kv, qgc, eaa, srcp, dstp,
      jnp.zeros((N, HD), jnp.float32), jnp.zeros((N, L), jnp.float32))

    out = pl.pallas_call(
        _final_body,
        grid=(N // BN,),
        in_specs=[
            pl.BlockSpec((NC, BN, HD), lambda i: (0, i, 0)),
            pl.BlockSpec((NC, BN, L), lambda i: (0, i, 0)),
            pl.BlockSpec((BN, HD), lambda i: (i, 0)),
        ],
        out_specs=pl.BlockSpec((BN, HD), lambda i: (i, 0)),
        out_shape=jax.ShapeDtypeStruct((N, HD), jnp.float32),
    )(out_p, den_p, x)
    return out.reshape(N, H, D)

# --- scband reference (transcript-rebuilt; emitter-appended) ---
"""Pipeline reference for scband-my-dot-gatconv-16295105921120 (READ-ONLY COPY).

The authoritative reference and input builder live on the scoring server;
editing this copy changes nothing except your own understanding.
"""

import jax, jax.numpy as jnp
import numpy as np

N = 10000
E = 320000
IN_FEATS = 128
EDGE_FEATS = 16
H = 4
D = 32  # out_feats per head; H*D == IN_FEATS so residual is Identity


def _xavier_normal(key, out_f, in_f, gain):
    std = gain * np.sqrt(2.0 / (in_f + out_f))
    return jax.random.normal(key, (out_f, in_f), dtype=jnp.float32) * std


def setup_inputs(seed: int = 0) -> dict:
    key = jax.random.key(seed)
    ks = jax.random.split(key, 8)
    gain = np.sqrt(2.0)  # calculate_gain('relu')
    x = jax.random.normal(ks[0], (N, IN_FEATS), dtype=jnp.float32)
    edge_index = jax.random.randint(ks[1], (2, E), 0, N, dtype=jnp.int32)
    edge_attr = jax.random.normal(ks[2], (E, EDGE_FEATS), dtype=jnp.float32)
    nan_mask = jnp.zeros((E,), dtype=jnp.bool_)
    Wq = _xavier_normal(ks[3], H * D, IN_FEATS, gain)
    Wk = _xavier_normal(ks[4], H * D, IN_FEATS, gain)
    Wv = _xavier_normal(ks[5], H * D, IN_FEATS, gain)
    We = _xavier_normal(ks[6], H * D, EDGE_FEATS, gain)
    bq = jnp.zeros((H * D,), dtype=jnp.float32)
    bk = jnp.zeros((H * D,), dtype=jnp.float32)
    bv = jnp.zeros((H * D,), dtype=jnp.float32)
    be = jnp.zeros((H * D,), dtype=jnp.float32)
    return {"x": x, "edge_index": edge_index, "edge_attr": edge_attr, "nan_mask": nan_mask,
            "Wq": Wq, "bq": bq, "Wk": Wk, "bk": bk, "Wv": Wv, "bv": bv, "We": We, "be": be}


def reference(x, edge_index, edge_attr, nan_mask, Wq, bq, Wk, bk, Wv, bv, We, be):
    src = edge_index[0]
    dst = edge_index[1]
    # feat_drop/attn_drop are 0.0 -> identity
    q = (x @ Wq.T + bq).reshape(-1, H, D)
    k = (x @ Wk.T + bk).reshape(-1, H, D)
    v = (x @ Wv.T + bv).reshape(-1, H, D)
    e = (edge_attr @ We.T + be).reshape(-1, H, D)
    # fn.u_add_e('k','e','ke'): gather k at src and add edge projection
    ke = k[src] + e
    # fn.v_dot_e('q','ke','a'): gather q at dst, dot with ke
    a = jnp.sum(q[dst] * ke, axis=-1, keepdims=True) / (D ** 0.5)
    # nan-edge handling: set attention logit to 1e-9 where flagged
    a = jnp.where(nan_mask[:, None, None], jnp.float32(1e-9), a)
    # edge_softmax: softmax over incoming edges grouped by dst node
    m = jax.ops.segment_max(a, dst, num_segments=N)
    a_exp = jnp.exp(a - m[dst])
    denom = jax.ops.segment_sum(a_exp, dst, num_segments=N)
    sa = a_exp / denom[dst]
    # zero out attention on nan edges
    sa = jnp.where(nan_mask[:, None, None], jnp.float32(0.0), sa)
    # fn.u_mul_e('v','sa','attn') + fn.sum('attn','agg_u')
    msg = v[src] * sa
    rst = jax.ops.segment_sum(msg, dst, num_segments=N)
    # residual: in_feats == out_feats*num_heads -> Identity
    rst = rst + x.reshape(-1, H, D)
    # activation is None
    return rst

if __name__ == "__main__":
    import jax
    _d = setup_inputs()
    print(jax.jit(kernel)(*tuple(_d.values())))

</pallas_src>

<mosaic_0001>
#map = affine_map<(d0, d1) -> (0, 0)>
#map1 = affine_map<(d0, d1) -> (0)>
#map2 = affine_map<(d0, d1) -> (0, 0, 0)>
module attributes {stable_mosaic.version = 14 : i64} {
  func.func @_edge_body(%arg0: i32, %arg1: i32, %arg2: memref<10000x256xf32, #tpu.memory_space<hbm>>, %arg3: memref<10000x256xf32, #tpu.memory_space<hbm>>, %arg4: memref<321024x32xf32, #tpu.memory_space<hbm>>, %arg5: memref<321024xi32, #tpu.memory_space<hbm>>, %arg6: memref<321024xi32, #tpu.memory_space<hbm>>, %arg7: memref<10000x128xf32, #tpu.memory_space<hbm>>, %arg8: memref<10000x16xf32, #tpu.memory_space<hbm>>, %arg9: memref<2x10000x128xf32, #tpu.memory_space<hbm>>, %arg10: memref<2x10000x16xf32, #tpu.memory_space<hbm>>, %arg11: memref<48xi32, #tpu.memory_space<vmem>>, %arg12: memref<48xi32, #tpu.memory_space<vmem>>, %arg13: memref<48x256xf32, #tpu.memory_space<vmem>>, %arg14: memref<48x256xf32, #tpu.memory_space<vmem>>, %arg15: memref<48x32xf32, #tpu.memory_space<vmem>>, %arg16: memref<48x128xf32, #tpu.memory_space<vmem>>, %arg17: memref<48x16xf32, #tpu.memory_space<vmem>>, %arg18: memref<192xf32, #tpu.memory_space<vmem>>, %arg19: memref<10000x128xf32, #tpu.memory_space<vmem_shared>>, %arg20: memref<10000x16xf32, #tpu.memory_space<vmem_shared>>, %arg21: memref<!tpu.dma_semaphore, #tpu.memory_space<semaphore_mem>>, %arg22: memref<!tpu.dma_semaphore, #tpu.memory_space<semaphore_mem>>) attributes {dimension_semantics = [#tpu.dimension_semantics<core_parallel>, #tpu.dimension_semantics<subcore_parallel>], iteration_bounds = array<i64: 2, 16>, scalar_prefetch = 0 : i64, scratch_operands = 12 : i64, tpu.core_type = #tpu.core_type<sc_vector_subcore>, window_params = [{transform_indices = #map}, {transform_indices = #map}, {transform_indices = #map}, {transform_indices = #map1}, {transform_indices = #map1}, {transform_indices = #map}, {transform_indices = #map}, {transform_indices = #map2}, {transform_indices = #map2}]} {
    %mul3A = arith.constant 2 : i32
    %mul3A_0 = arith.muli %arg1, %mul3A : i32
    %add3A = arith.addi %mul3A_0, %arg0 : i32
    %broadcast_in_dim3A = arith.constant 0.000000e+00 : f32
    %broadcast_in_dim3A_1 = vector.broadcast %broadcast_in_dim3A : f32 to vector<16xf32>
    %mul3A_2 = arith.constant 624 : i32
    %mul3A_3 = arith.muli %arg1, %mul3A_2 : i32
    %mul3A_4 = arith.constant 624 : i32
    %mul3A_5 = arith.muli %arg1, %mul3A_4 : i32
    "tpu.region"() ({
      %run_scoped3A = tpu.sem_alloc : memref<!tpu.dma_semaphore, #tpu.memory_space<semaphore_mem>>
      %dma_start3A = arith.constant 0 : i32
      %dma_start3A_39 = tpu.memref_slice %arg19[%mul3A_5, %dma_start3A] : memref<10000x128xf32, #tpu.memory_space<vmem_shared>> -> memref<624x128xf32, #tpu.memory_space<vmem_shared>>
      %dma_start3A_40 = arith.constant 0 : i32
      %dma_start3A_41 = tpu.memref_slice %arg7[%mul3A_3, %dma_start3A_40] : memref<10000x128xf32, #tpu.memory_space<hbm>> -> memref<624x128xf32, #tpu.memory_space<hbm>>
      tpu.enqueue_dma source(%dma_start3A_41 : memref<624x128xf32, #tpu.memory_space<hbm>>) target(%dma_start3A_39 : memref<624x128xf32, #tpu.memory_space<vmem_shared>>) target_semaphore(%run_scoped3A : memref<!tpu.dma_semaphore, #tpu.memory_space<semaphore_mem>>)
      %dma_wait3A = arith.constant 0 : i32
      %dma_wait3A_42 = tpu.memref_slice %arg19[%mul3A_5, %dma_wait3A] : memref<10000x128xf32, #tpu.memory_space<vmem_shared>> -> memref<624x128xf32, #tpu.memory_space<vmem_shared>>
      %dma_wait3A_43 = arith.constant 0 : i32
      %dma_wait3A_44 = tpu.memref_slice %arg7[%mul3A_3, %dma_wait3A_43] : memref<10000x128xf32, #tpu.memory_space<hbm>> -> memref<624x128xf32, #tpu.memory_space<hbm>>
      tpu.wait_dma2 semaphore(%run_scoped3A : memref<!tpu.dma_semaphore, #tpu.memory_space<semaphore_mem>>) src(%dma_wait3A_44 : memref<624x128xf32, #tpu.memory_space<hbm>>) dst(%dma_wait3A_42 : memref<624x128xf32, #tpu.memory_space<vmem_shared>>)
      tpu.yield
    }) : () -> ()
    %mul3A_6 = arith.constant 624 : i32
    %mul3A_7 = arith.muli %arg1, %mul3A_6 : i32
    %mul3A_8 = arith.constant 624 : i32
    %mul3A_9 = arith.muli %arg1, %mul3A_8 : i32
    "tpu.region"() ({
      %run_scoped3A = tpu.sem_alloc : memref<!tpu.dma_semaphore, #tpu.memory_space<semaphore_mem>>
      %dma_start3A = arith.constant 0 : i32
      %dma_start3A_39 = tpu.memref_slice %arg20[%mul3A_9, %dma_start3A] : memref<10000x16xf32, #tpu.memory_space<vmem_shared>> -> memref<624x16xf32, #tpu.memory_space<vmem_shared>>
      %dma_start3A_40 = arith.constant 0 : i32
      %dma_start3A_41 = tpu.memref_slice %arg8[%mul3A_7, %dma_start3A_40] : memref<10000x16xf32, #tpu.memory_space<hbm>> -> memref<624x16xf32, #tpu.memory_space<hbm>>
      tpu.enqueue_dma source(%dma_start3A_41 : memref<624x16xf32, #tpu.memory_space<hbm>>) target(%dma_start3A_39 : memref<624x16xf32, #tpu.memory_space<vmem_shared>>) target_semaphore(%run_scoped3A : memref<!tpu.dma_semaphore, #tpu.memory_space<semaphore_mem>>)
      %dma_wait3A = arith.constant 0 : i32
      %dma_wait3A_42 = tpu.memref_slice %arg20[%mul3A_9, %dma_wait3A] : memref<10000x16xf32, #tpu.memory_space<vmem_shared>> -> memref<624x16xf32, #tpu.memory_space<vmem_shared>>
      %dma_wait3A_43 = arith.constant 0 : i32
      %dma_wait3A_44 = tpu.memref_slice %arg8[%mul3A_7, %dma_wait3A_43] : memref<10000x16xf32, #tpu.memory_space<hbm>> -> memref<624x16xf32, #tpu.memory_space<hbm>>
      tpu.wait_dma2 semaphore(%run_scoped3A : memref<!tpu.dma_semaphore, #tpu.memory_space<semaphore_mem>>) src(%dma_wait3A_44 : memref<624x16xf32, #tpu.memory_space<hbm>>) dst(%dma_wait3A_42 : memref<624x16xf32, #tpu.memory_space<vmem_shared>>)
      tpu.yield
    }) : () -> ()
    %eq3A = arith.constant 15 : i32
    %eq3A_10 = arith.cmpi eq, %arg1, %eq3A : i32
    %convert_element_type3A = arith.extui %eq3A_10 : i1 to i32
    %cond3A = arith.constant 0 : i32
    %cond3A_11 = arith.cmpi ne, %convert_element_type3A, %cond3A : i32
    scf.if %cond3A_11 {
      "tpu.region"() ({
        %run_scoped3A = tpu.sem_alloc : memref<!tpu.dma_semaphore, #tpu.memory_space<semaphore_mem>>
        %dma_start3A = arith.constant 9984 : i32
        %dma_start3A_39 = arith.constant 0 : i32
        %dma_start3A_40 = tpu.memref_slice %arg19[%dma_start3A, %dma_start3A_39] : memref<10000x128xf32, #tpu.memory_space<vmem_shared>> -> memref<16x128xf32, #tpu.memory_space<vmem_shared>>
        %dma_start3A_41 = arith.constant 9984 : i32
        %dma_start3A_42 = arith.constant 0 : i32
        %dma_start3A_43 = tpu.memref_slice %arg7[%dma_start3A_41, %dma_start3A_42] : memref<10000x128xf32, #tpu.memory_space<hbm>> -> memref<16x128xf32, #tpu.memory_space<hbm>>
        tpu.enqueue_dma source(%dma_start3A_43 : memref<16x128xf32, #tpu.memory_space<hbm>>) target(%dma_start3A_40 : memref<16x128xf32, #tpu.memory_space<vmem_shared>>) target_semaphore(%run_scoped3A : memref<!tpu.dma_semaphore, #tpu.memory_space<semaphore_mem>>)
        %dma_wait3A = arith.constant 9984 : i32
        %dma_wait3A_44 = arith.constant 0 : i32
        %dma_wait3A_45 = tpu.memref_slice %arg19[%dma_wait3A, %dma_wait3A_44] : memref<10000x128xf32, #tpu.memory_space<vmem_shared>> -> memref<16x128xf32, #tpu.memory_space<vmem_shared>>
        %dma_wait3A_46 = arith.constant 9984 : i32
        %dma_wait3A_47 = arith.constant 0 : i32
        %dma_wait3A_48 = tpu.memref_slice %arg7[%dma_wait3A_46, %dma_wait3A_47] : memref<10000x128xf32, #tpu.memory_space<hbm>> -> memref<16x128xf32, #tpu.memory_space<hbm>>
        tpu.wait_dma2 semaphore(%run_scoped3A : memref<!tpu.dma_semaphore, #tpu.memory_space<semaphore_mem>>) src(%dma_wait3A_48 : memref<16x128xf32, #tpu.memory_space<hbm>>) dst(%dma_wait3A_45 : memref<16x128xf32, #tpu.memory_space<vmem_shared>>)
        tpu.yield
      }) : () -> ()
      "tpu.region"() ({
        %run_scoped3A = tpu.sem_alloc : memref<!tpu.dma_semaphore, #tpu.memory_space<semaphore_mem>>
        %dma_start3A = arith.constant 9984 : i32
        %dma_start3A_39 = arith.constant 0 : i32
        %dma_start3A_40 = tpu.memref_slice %arg20[%dma_start3A, %dma_start3A_39] : memref<10000x16xf32, #tpu.memory_space<vmem_shared>> -> memref<16x16xf32, #tpu.memory_space<vmem_shared>>
        %dma_start3A_41 = arith.constant 9984 : i32
        %dma_start3A_42 = arith.constant 0 : i32
        %dma_start3A_43 = tpu.memref_slice %arg8[%dma_start3A_41, %dma_start3A_42] : memref<10000x16xf32, #tpu.memory_space<hbm>> -> memref<16x16xf32, #tpu.memory_space<hbm>>
        tpu.enqueue_dma source(%dma_start3A_43 : memref<16x16xf32, #tpu.memory_space<hbm>>) target(%dma_start3A_40 : memref<16x16xf32, #tpu.memory_space<vmem_shared>>) target_semaphore(%run_scoped3A : memref<!tpu.dma_semaphore, #tpu.memory_space<semaphore_mem>>)
        %dma_wait3A = arith.constant 9984 : i32
        %dma_wait3A_44 = arith.constant 0 : i32
        %dma_wait3A_45 = tpu.memref_slice %arg20[%dma_wait3A, %dma_wait3A_44] : memref<10000x16xf32, #tpu.memory_space<vmem_shared>> -> memref<16x16xf32, #tpu.memory_space<vmem_shared>>
        %dma_wait3A_46 = arith.constant 9984 : i32
        %dma_wait3A_47 = arith.constant 0 : i32
        %dma_wait3A_48 = tpu.memref_slice %arg8[%dma_wait3A_46, %dma_wait3A_47] : memref<10000x16xf32, #tpu.memory_space<hbm>> -> memref<16x16xf32, #tpu.memory_space<hbm>>
        tpu.wait_dma2 semaphore(%run_scoped3A : memref<!tpu.dma_semaphore, #tpu.memory_space<semaphore_mem>>) src(%dma_wait3A_48 : memref<16x16xf32, #tpu.memory_space<hbm>>) dst(%dma_wait3A_45 : memref<16x16xf32, #tpu.memory_space<vmem_shared>>)
        tpu.yield
      }) : () -> ()
    } else {
    }
    %scan3A = arith.constant 0 : i32
    %scan3A_12 = arith.constant 0 : i32
    %scan3A_13 = arith.constant 48 : i32
    %scan3A_14 = arith.addi %scan3A_12, %scan3A_13 : i32
    %scan3A_15 = arith.constant 1 : i32
    %scan3A_16 = scf.for %scan3A_39 = %scan3A_12 to %scan3A_14 step %scan3A_15 iter_args(%scan3A_40 = %scan3A) -> (i32)  : i32 {
      %swap3A = arith.index_cast %scan3A_39 : i32 to index
      %swap3A_41 = arith.constant 0 : index
      %swap3A_42 = tpu.vector_load %arg17[%swap3A, %swap3A_41] {strides = array<i32>} : memref<48x16xf32, #tpu.memory_space<vmem>>, vector<16xf32>,
      tpu.vector_store %arg17[%swap3A, %swap3A_41], %broadcast_in_dim3A_1 {strides = array<i32>} : memref<48x16xf32, #tpu.memory_space<vmem>>, vector<16xf32>,
      %scan3A_43 = arith.constant 0 : i32
      scf.yield %scan3A_43 : i32
    }
    %scan3A_17 = arith.constant 48 : i32
    %barrier3A = arith.constant 0 : index
    tpu.barrier barrier_id(%barrier3A)
    %iota3A = tpu.iota {dimensions = array<i32: 0>} : vector<16xi32>
    %scan3A_18 = arith.constant 0 : i32
    %scan3A_19 = arith.constant 0 : i32
    %scan3A_20 = arith.constant 209 : i32
    %scan3A_21 = arith.addi %scan3A_19, %scan3A_20 : i32
    %scan3A_22 = arith.constant 1 : i32
    %scan3A_23 = scf.for %scan3A_39 = %scan3A_19 to %scan3A_21 step %scan3A_22 iter_args(%scan3A_40 = %scan3A_18) -> (i32)  : i32 {
      %mul3A_41 = arith.constant 10032 : i32
      %mul3A_42 = arith.muli %add3A, %mul3A_41 : i32
      %mul3A_43 = arith.constant 48 : i32
      %mul3A_44 = arith.muli %scan3A_39, %mul3A_43 : i32
      %add3A_45 = arith.addi %mul3A_42, %mul3A_44 : i32
      "tpu.region"() ({
        %run_scoped3A = tpu.sem_alloc : memref<!tpu.dma_semaphore, #tpu.memory_space<semaphore_mem>>
        %dma_start3A_393 = tpu.memref_slice %arg5[%add3A_45] : memref<321024xi32, #tpu.memory_space<hbm>> -> memref<48xi32, #tpu.memory_space<hbm>>
        %dma_start3A_394 = tpu.memref_slice %arg5[%add3A_45] : memref<321024xi32, #tpu.memory_space<hbm>> -> memref<48xi32, #tpu.memory_space<hbm>>
        tpu.enqueue_dma source(%dma_start3A_394 : memref<48xi32, #tpu.memory_space<hbm>>) target(%arg11 : memref<48xi32, #tpu.memory_space<vmem>>) target_semaphore(%run_scoped3A : memref<!tpu.dma_semaphore, #tpu.memory_space<semaphore_mem>>)
        %dma_wait3A_395 = tpu.memref_slice %arg5[%add3A_45] : memref<321024xi32, #tpu.memory_space<hbm>> -> memref<48xi32, #tpu.memory_space<hbm>>
        %dma_wait3A_396 = tpu.memref_slice %arg5[%add3A_45] : memref<321024xi32, #tpu.memory_space<hbm>> -> memref<48xi32, #tpu.memory_space<hbm>>
        tpu.wait_dma2 semaphore(%run_scoped3A : memref<!tpu.dma_semaphore, #tpu.memory_space<semaphore_mem>>) src(%dma_wait3A_396 : memref<48xi32, #tpu.memory_space<hbm>>) dst(%arg11 : memref<48xi32, #tpu.memory_space<vmem>>)
        tpu.yield
      }) : () -> ()
      "tpu.region"() ({
        %run_scoped3A = tpu.sem_alloc : memref<!tpu.dma_semaphore, #tpu.memory_space<semaphore_mem>>
        %dma_start3A_393 = tpu.memref_slice %arg6[%add3A_45] : memref<321024xi32, #tpu.memory_space<hbm>> -> memref<48xi32, #tpu.memory_space<hbm>>
        %dma_start3A_394 = tpu.memref_slice %arg6[%add3A_45] : memref<321024xi32, #tpu.memory_space<hbm>> -> memref<48xi32, #tpu.memory_space<hbm>>
        tpu.enqueue_dma source(%dma_start3A_394 : memref<48xi32, #tpu.memory_space<hbm>>) target(%arg12 : memref<48xi32, #tpu.memory_space<vmem>>) target_semaphore(%run_scoped3A : memref<!tpu.dma_semaphore, #tpu.memory_space<semaphore_mem>>)
        %dma_wait3A_395 = tpu.memref_slice %arg6[%add3A_45] : memref<321024xi32, #tpu.memory_space<hbm>> -> memref<48xi32, #tpu.memory_space<hbm>>
        %dma_wait3A_396 = tpu.memref_slice %arg6[%add3A_45] : memref<321024xi32, #tpu.memory_space<hbm>> -> memref<48xi32, #tpu.memory_space<hbm>>
        tpu.wait_dma2 semaphore(%run_scoped3A : memref<!tpu.dma_semaphore, #tpu.memory_space<semaphore_mem>>) src(%dma_wait3A_396 : memref<48xi32, #tpu.memory_space<hbm>>) dst(%arg12 : memref<48xi32, #tpu.memory_space<vmem>>)
        tpu.yield
      }) : () -> ()
      "tpu.region"() ({
        %run_scoped3A = tpu.sem_alloc : memref<!tpu.dma_semaphore, #tpu.memory_space<semaphore_mem>>
        %dma_start3A_393 = arith.constant 0 : i32
        %dma_start3A_394 = tpu.memref_slice %arg4[%add3A_45, %dma_start3A_393] : memref<321024x32xf32, #tpu.memory_space<hbm>> -> memref<48x32xf32, #tpu.memory_space<hbm>>
        %dma_start3A_395 = arith.constant 0 : i32
        %dma_start3A_396 = tpu.memref_slice %arg4[%add3A_45, %dma_start3A_395] : memref<321024x32xf32, #tpu.memory_space<hbm>> -> memref<48x32xf32, #tpu.memory_space<hbm>>
        tpu.enqueue_dma source(%dma_start3A_396 : memref<48x32xf32, #tpu.memory_space<hbm>>) target(%arg15 : memref<48x32xf32, #tpu.memory_space<vmem>>) target_semaphore(%run_scoped3A : memref<!tpu.dma_semaphore, #tpu.memory_space<semaphore_mem>>)
        %dma_wait3A_397 = arith.constant 0 : i32
        %dma_wait3A_398 = tpu.memref_slice %arg4[%add3A_45, %dma_wait3A_397] : memref<321024x32xf32, #tpu.memory_space<hbm>> -> memref<48x32xf32, #tpu.memory_space<hbm>>
        %dma_wait3A_399 = arith.constant 0 : i32
        %dma_wait3A_400 = tpu.memref_slice %arg4[%add3A_45, %dma_wait3A_399] : memref<321024x32xf32, #tpu.memory_space<hbm>> -> memref<48x32xf32, #tpu.memory_space<hbm>>
        tpu.wait_dma2 semaphore(%run_scoped3A : memref<!tpu.dma_semaphore, #tpu.memory_space<semaphore_mem>>) src(%dma_wait3A_400 : memref<48x32xf32, #tpu.memory_space<hbm>>) dst(%arg15 : memref<48x32xf32, #tpu.memory_space<vmem>>)
        tpu.yield
      }) : () -> ()
      %dma_start3A = arith.constant 0 : i32
      %dma_start3A_46 = arith.constant 0 : i32
      %dma_start3A_47 = tpu.memref_slice %arg2[%dma_start3A, %dma_start3A_46] : memref<10000x256xf32, #tpu.memory_space<hbm>> -> memref<10000x256xf32, #tpu.memory_space<hbm>>
      tpu.enqueue_indirect_dma source(%dma_start3A_47 : memref<10000x256xf32, #tpu.memory_space<hbm>>) target(%arg13 : memref<48x256xf32, #tpu.memory_space<vmem>>) offsets(%arg11 : memref<48xi32, #tpu.memory_space<vmem>>) semaphore(%arg21 : memref<!tpu.dma_semaphore, #tpu.memory_space<semaphore_mem>>)
      %dma_start3A_48 = arith.constant 0 : i32
      %dma_start3A_49 = arith.constant 0 : i32
      %dma_start3A_50 = tpu.memref_slice %arg3[%dma_start3A_48, %dma_start3A_49] : memref<10000x256xf32, #tpu.memory_space<hbm>> -> memref<10000x256xf32, #tpu.memory_space<hbm>>
      tpu.enqueue_indirect_dma source(%dma_start3A_50 : memref<10000x256xf32, #tpu.memory_space<hbm>>) target(%arg14 : memref<48x256xf32, #tpu.memory_space<vmem>>) offsets(%arg12 : memref<48xi32, #tpu.memory_space<vmem>>) semaphore(%arg22 : memref<!tpu.dma_semaphore, #tpu.memory_space<semaphore_mem>>)
      %dma_wait3A = arith.constant 0 : i32
      %dma_wait3A_51 = arith.constant 0 : i32
      %dma_wait3A_52 = tpu.memref_slice %arg2[%dma_wait3A, %dma_wait3A_51] : memref<10000x256xf32, #tpu.memory_space<hbm>> -> memref<10000x256xf32, #tpu.memory_space<hbm>>
      tpu.wait_indirect_dma semaphore(%arg21 : memref<!tpu.dma_semaphore, #tpu.memory_space<semaphore_mem>>) src(%dma_wait3A_52 : memref<10000x256xf32, #tpu.memory_space<hbm>>) dst(%arg13 : memref<48x256xf32, #tpu.memory_space<vmem>>)
      %dma_wait3A_53 = arith.constant 0 : i32
      %dma_wait3A_54 = arith.constant 0 : i32
      %dma_wait3A_55 = tpu.memref_slice %arg3[%dma_wait3A_53, %dma_wait3A_54] : memref<10000x256xf32, #tpu.memory_space<hbm>> -> memref<10000x256xf32, #tpu.memory_space<hbm>>
      tpu.wait_indirect_dma semaphore(%arg22 : memref<!tpu.dma_semaphore, #tpu.memory_space<semaphore_mem>>) src(%dma_wait3A_55 : memref<10000x256xf32, #tpu.memory_space<hbm>>) dst(%arg14 : memref<48x256xf32, #tpu.memory_space<vmem>>)
      %add3A_56 = arith.constant 0 : i32
      %add3A_57 = vector.broadcast %add3A_56 : i32 to vector<16xi32>
      %add3A_58 = arith.addi %add3A_57, %iota3A : vector<16xi32>
      %scan3A_59 = arith.constant 0 : i32
      %scan3A_60 = arith.constant 32 : i32
      %scan3A_61 = arith.addi %scan3A_59, %scan3A_60 : i32
      %scan3A_62 = arith.constant 1 : i32
      %scan3A_63:4 = scf.for %scan3A_393 = %scan3A_59 to %scan3A_61 step %scan3A_62 iter_args(%scan3A_394 = %broadcast_in_dim3A_1, %scan3A_395 = %broadcast_in_dim3A_1, %scan3A_396 = %broadcast_in_dim3A_1, %scan3A_397 = %broadcast_in_dim3A_1) -> (vector<16xf32>, vector<16xf32>, vector<16xf32>, vector<16xf32>)  : i32 {
        %broadcast_in_dim3A_398 = arith.constant 0 : i32
        %broadcast_in_dim3A_399 = vector.broadcast %broadcast_in_dim3A_398 : i32 to vector<16xi32>
        %add3A_400 = vector.broadcast %scan3A_393 : i32 to vector<16xi32>
        %add3A_401 = arith.addi %broadcast_in_dim3A_399, %add3A_400 : vector<16xi32>
        %gather3A_402 = tpu.vector_load_idx %arg13[%add3A_58, %add3A_401] : memref<48x256xf32, #tpu.memory_space<vmem>>[vector<16xi32>, vector<16xi32>], vector<16xf32>,
        %gather3A_403 = tpu.vector_load_idx %arg14[%add3A_58, %add3A_401] : memref<48x256xf32, #tpu.memory_space<vmem>>[vector<16xi32>, vector<16xi32>], vector<16xf32>,
        %mul3A_404 = arith.mulf %gather3A_402, %gather3A_403 : vector<16xf32>
        %add3A_405 = arith.addf %scan3A_394, %mul3A_404 : vector<16xf32>
        %broadcast_in_dim3A_406 = arith.constant 32 : i32
        %broadcast_in_dim3A_407 = vector.broadcast %broadcast_in_dim3A_406 : i32 to vector<16xi32>
        %add3A_408 = vector.broadcast %scan3A_393 : i32 to vector<16xi32>
        %add3A_409 = arith.addi %broadcast_in_dim3A_407, %add3A_408 : vector<16xi32>
        %gather3A_410 = tpu.vector_load_idx %arg13[%add3A_58, %add3A_409] : memref<48x256xf32, #tpu.memory_space<vmem>>[vector<16xi32>, vector<16xi32>], vector<16xf32>,
        %gather3A_411 = tpu.vector_load_idx %arg14[%add3A_58, %add3A_409] : memref<48x256xf32, #tpu.memory_space<vmem>>[vector<16xi32>, vector<16xi32>], vector<16xf32>,
        %mul3A_412 = arith.mulf %gather3A_410, %gather3A_411 : vector<16xf32>
        %add3A_413 = arith.addf %scan3A_395, %mul3A_412 : vector<16xf32>
        %broadcast_in_dim3A_414 = arith.constant 64 : i32
        %broadcast_in_dim3A_415 = vector.broadcast %broadcast_in_dim3A_414 : i32 to vector<16xi32>
        %add3A_416 = vector.broadcast %scan3A_393 : i32 to vector<16xi32>
        %add3A_417 = arith.addi %broadcast_in_dim3A_415, %add3A_416 : vector<16xi32>
        %gather3A_418 = tpu.vector_load_idx %arg13[%add3A_58, %add3A_417] : memref<48x256xf32, #tpu.memory_space<vmem>>[vector<16xi32>, vector<16xi32>], vector<16xf32>,
        %gather3A_419 = tpu.vector_load_idx %arg14[%add3A_58, %add3A_417] : memref<48x256xf32, #tpu.memory_space<vmem>>[vector<16xi32>, vector<16xi32>], vector<16xf32>,
        %mul3A_420 = arith.mulf %gather3A_418, %gather3A_419 : vector<16xf32>
        %add3A_421 = arith.addf %scan3A_396, %mul3A_420 : vector<16xf32>
        %broadcast_in_dim3A_422 = arith.constant 96 : i32
        %broadcast_in_dim3A_423 = vector.broadcast %broadcast_in_dim3A_422 : i32 to vector<16xi32>
        %add3A_424 = vector.broadcast %scan3A_393 : i32 to vector<16xi32>
        %add3A_425 = arith.addi %broadcast_in_dim3A_423, %add3A_424 : vector<16xi32>
        %gather3A_426 = tpu.vector_load_idx %arg13[%add3A_58, %add3A_425] : memref<48x256xf32, #tpu.memory_space<vmem>>[vector<16xi32>, vector<16xi32>], vector<16xf32>,
        %gather3A_427 = tpu.vector_load_idx %arg14[%add3A_58, %add3A_425] : memref<48x256xf32, #tpu.memory_space<vmem>>[vector<16xi32>, vector<16xi32>], vector<16xf32>,
        %mul3A_428 = arith.mulf %gather3A_426, %gather3A_427 : vector<16xf32>
        %add3A_429 = arith.addf %scan3A_397, %mul3A_428 : vector<16xf32>
        scf.yield %add3A_405, %add3A_413, %add3A_421, %add3A_429 : vector<16xf32>, vector<16xf32>, vector<16xf32>, vector<16xf32>
      }
      %scan3A_64 = arith.constant 32 : i32
      %scan3A_65 = arith.constant 0 : i32
      %scan3A_66 = arith.constant 17 : i32
      %scan3A_67 = arith.addi %scan3A_65, %scan3A_66 : i32
      %scan3A_68 = arith.constant 1 : i32
      %scan3A_69:4 = scf.for %scan3A_393 = %scan3A_65 to %scan3A_67 step %scan3A_68 iter_args(%scan3A_394 = %scan3A_63#0, %scan3A_395 = %scan3A_63#1, %scan3A_396 = %scan3A_63#2, %scan3A_397 = %scan3A_63#3) -> (vector<16xf32>, vector<16xf32>, vector<16xf32>, vector<16xf32>)  : i32 {
        %broadcast_in_dim3A_398 = arith.constant 0 : i32
        %broadcast_in_dim3A_399 = vector.broadcast %broadcast_in_dim3A_398 : i32 to vector<16xi32>
        %add3A_400 = vector.broadcast %scan3A_393 : i32 to vector<16xi32>
        %add3A_401 = arith.addi %broadcast_in_dim3A_399, %add3A_400 : vector<16xi32>
        %gather3A_402 = tpu.vector_load_idx %arg15[%add3A_58, %add3A_401] : memref<48x32xf32, #tpu.memory_space<vmem>>[vector<16xi32>, vector<16xi32>], vector<16xf32>,
        %broadcast_in_dim3A_403 = arith.constant 128 : i32
        %broadcast_in_dim3A_404 = vector.broadcast %broadcast_in_dim3A_403 : i32 to vector<16xi32>
        %add3A_405 = vector.broadcast %scan3A_393 : i32 to vector<16xi32>
        %add3A_406 = arith.addi %broadcast_in_dim3A_404, %add3A_405 : vector<16xi32>
        %gather3A_407 = tpu.vector_load_idx %arg14[%add3A_58, %add3A_406] : memref<48x256xf32, #tpu.memory_space<vmem>>[vector<16xi32>, vector<16xi32>], vector<16xf32>,
        %mul3A_408 = arith.mulf %gather3A_407, %gather3A_402 : vector<16xf32>
        %add3A_409 = arith.addf %scan3A_394, %mul3A_408 : vector<16xf32>
        %broadcast_in_dim3A_410 = arith.constant 160 : i32
        %broadcast_in_dim3A_411 = vector.broadcast %broadcast_in_dim3A_410 : i32 to vector<16xi32>
        %add3A_412 = vector.broadcast %scan3A_393 : i32 to vector<16xi32>
        %add3A_413 = arith.addi %broadcast_in_dim3A_411, %add3A_412 : vector<16xi32>
        %gather3A_414 = tpu.vector_load_idx %arg14[%add3A_58, %add3A_413] : memref<48x256xf32, #tpu.memory_space<vmem>>[vector<16xi32>, vector<16xi32>], vector<16xf32>,
        %mul3A_415 = arith.mulf %gather3A_414, %gather3A_402 : vector<16xf32>
        %add3A_416 = arith.addf %scan3A_395, %mul3A_415 : vector<16xf32>
        %broadcast_in_dim3A_417 = arith.constant 192 : i32
        %broadcast_in_dim3A_418 = vector.broadcast %broadcast_in_dim3A_417 : i32 to vector<16xi32>
        %add3A_419 = vector.broadcast %scan3A_393 : i32 to vector<16xi32>
        %add3A_420 = arith.addi %broadcast_in_dim3A_418, %add3A_419 : vector<16xi32>
        %gather3A_421 = tpu.vector_load_idx %arg14[%add3A_58, %add3A_420] : memref<48x256xf32, #tpu.memory_space<vmem>>[vector<16xi32>, vector<16xi32>], vector<16xf32>,
        %mul3A_422 = arith.mulf %gather3A_421, %gather3A_402 : vector<16xf32>
        %add3A_423 = arith.addf %scan3A_396, %mul3A_422 : vector<16xf32>
        %broadcast_in_dim3A_424 = arith.constant 224 : i32
        %broadcast_in_dim3A_425 = vector.broadcast %broadcast_in_dim3A_424 : i32 to vector<16xi32>
        %add3A_426 = vector.broadcast %scan3A_393 : i32 to vector<16xi32>
        %add3A_427 = arith.addi %broadcast_in_dim3A_425, %add3A_426 : vector<16xi32>
        %gather3A_428 = tpu.vector_load_idx %arg14[%add3A_58, %add3A_427] : memref<48x256xf32, #tpu.memory_space<vmem>>[vector<16xi32>, vector<16xi32>], vector<16xf32>,
        %mul3A_429 = arith.mulf %gather3A_428, %gather3A_402 : vector<16xf32>
        %add3A_430 = arith.addf %scan3A_397, %mul3A_429 : vector<16xf32>
        scf.yield %add3A_409, %add3A_416, %add3A_423, %add3A_430 : vector<16xf32>, vector<16xf32>, vector<16xf32>, vector<16xf32>
      }
      %scan3A_70 = arith.constant 17 : i32
      %broadcast_in_dim3A_71 = arith.constant 17 : i32
      %broadcast_in_dim3A_72 = vector.broadcast %broadcast_in_dim3A_71 : i32 to vector<16xi32>
      %gather3A = tpu.vector_load_idx %arg15[%add3A_58, %broadcast_in_dim3A_72] : memref<48x32xf32, #tpu.memory_space<vmem>>[vector<16xi32>, vector<16xi32>], vector<16xf32>,
      %broadcast_in_dim3A_73 = arith.constant 18 : i32
      %broadcast_in_dim3A_74 = vector.broadcast %broadcast_in_dim3A_73 : i32 to vector<16xi32>
      %gather3A_75 = tpu.vector_load_idx %arg15[%add3A_58, %broadcast_in_dim3A_74] : memref<48x32xf32, #tpu.memory_space<vmem>>[vector<16xi32>, vector<16xi32>], vector<16xf32>,
      %gt3A = arith.constant 5.000000e-01 : f32
      %gt3A_76 = vector.broadcast %gt3A : f32 to vector<16xf32>
      %gt3A_77 = arith.cmpf ogt, %gather3A, %gt3A_76 : vector<16xf32>
      %jit3A = arith.constant 9.99999971E-10 : f32
      %broadcast_in_dim3A_78 = vector.broadcast %jit3A : f32 to vector<16xf32>
      %select_n3A = arith.select %gt3A_77, %broadcast_in_dim3A_78, %scan3A_69#0 : vector<16xi1>, vector<16xf32>
      %max3A = arith.constant -6.000000e+01 : f32
      %max3A_79 = vector.broadcast %max3A : f32 to vector<16xf32>
      %max3A_80 = arith.maximumf %select_n3A, %max3A_79 : vector<16xf32>
      %min3A = arith.constant 6.000000e+01 : f32
      %min3A_81 = vector.broadcast %min3A : f32 to vector<16xf32>
      %min3A_82 = arith.minimumf %max3A_80, %min3A_81 : vector<16xf32>
      %exp3A = math.exp %min3A_82 : vector<16xf32>
      %mul3A_83 = arith.mulf %exp3A, %gather3A_75 : vector<16xf32>
      %jit3A_84 = arith.constant 0.000000e+00 : f32
      %broadcast_in_dim3A_85 = vector.broadcast %jit3A_84 : f32 to vector<16xf32>
      %select_n3A_86 = arith.select %gt3A_77, %broadcast_in_dim3A_85, %mul3A_83 : vector<16xi1>, vector<16xf32>
      %broadcast_in_dim3A_87 = arith.constant 0 : i32
      %broadcast_in_dim3A_88 = vector.broadcast %broadcast_in_dim3A_87 : i32 to vector<16xi32>
      tpu.vector_store_idx %arg17[%add3A_58, %broadcast_in_dim3A_88], %mul3A_83 : memref<48x16xf32, #tpu.memory_space<vmem>>[vector<16xi32>, vector<16xi32>], vector<16xf32>,
      %mul3A_89 = arith.constant 4 : i32
      %mul3A_90 = vector.broadcast %mul3A_89 : i32 to vector<16xi32>
      %mul3A_91 = arith.muli %add3A_58, %mul3A_90 : vector<16xi32>
      %add3A_92 = arith.constant 0 : i32
      %add3A_93 = vector.broadcast %add3A_92 : i32 to vector<16xi32>
      %add3A_94 = arith.addi %mul3A_91, %add3A_93 : vector<16xi32>
      tpu.vector_store_idx %arg18[%add3A_94], %select_n3A_86 : memref<192xf32, #tpu.memory_space<vmem>>[vector<16xi32>], vector<16xf32>,
      %jit3A_95 = arith.constant 9.99999971E-10 : f32
      %broadcast_in_dim3A_96 = vector.broadcast %jit3A_95 : f32 to vector<16xf32>
      %select_n3A_97 = arith.select %gt3A_77, %broadcast_in_dim3A_96, %scan3A_69#1 : vector<16xi1>, vector<16xf32>
      %max3A_98 = arith.constant -6.000000e+01 : f32
      %max3A_99 = vector.broadcast %max3A_98 : f32 to vector<16xf32>
      %max3A_100 = arith.maximumf %select_n3A_97, %max3A_99 : vector<16xf32>
      %min3A_101 = arith.constant 6.000000e+01 : f32
      %min3A_102 = vector.broadcast %min3A_101 : f32 to vector<16xf32>
      %min3A_103 = arith.minimumf %max3A_100, %min3A_102 : vector<16xf32>
      %exp3A_104 = math.exp %min3A_103 : vector<16xf32>
      %mul3A_105 = arith.mulf %exp3A_104, %gather3A_75 : vector<16xf32>
      %jit3A_106 = arith.constant 0.000000e+00 : f32
      %broadcast_in_dim3A_107 = vector.broadcast %jit3A_106 : f32 to vector<16xf32>
      %select_n3A_108 = arith.select %gt3A_77, %broadcast_in_dim3A_107, %mul3A_105 : vector<16xi1>, vector<16xf32>
      %broadcast_in_dim3A_109 = arith.constant 1 : i32
      %broadcast_in_dim3A_110 = vector.broadcast %broadcast_in_dim3A_109 : i32 to vector<16xi32>
      tpu.vector_store_idx %arg17[%add3A_58, %broadcast_in_dim3A_110], %mul3A_105 : memref<48x16xf32, #tpu.memory_space<vmem>>[vector<16xi32>, vector<16xi32>], vector<16xf32>,
      %mul3A_111 = arith.constant 4 : i32
      %mul3A_112 = vector.broadcast %mul3A_111 : i32 to vector<16xi32>
      %mul3A_113 = arith.muli %add3A_58, %mul3A_112 : vector<16xi32>
      %add3A_114 = arith.constant 1 : i32
      %add3A_115 = vector.broadcast %add3A_114 : i32 to vector<16xi32>
      %add3A_116 = arith.addi %mul3A_113, %add3A_115 : vector<16xi32>
      tpu.vector_store_idx %arg18[%add3A_116], %select_n3A_108 : memref<192xf32, #tpu.memory_space<vmem>>[vector<16xi32>], vector<16xf32>,
      %jit3A_117 = arith.constant 9.99999971E-10 : f32
      %broadcast_in_dim3A_118 = vector.broadcast %jit3A_117 : f32 to vector<16xf32>
      %select_n3A_119 = arith.select %gt3A_77, %broadcast_in_dim3A_118, %scan3A_69#2 : vector<16xi1>, vector<16xf32>
      %max3A_120 = arith.constant -6.000000e+01 : f32
      %max3A_121 = vector.broadcast %max3A_120 : f32 to vector<16xf32>
      %max3A_122 = arith.maximumf %select_n3A_119, %max3A_121 : vector<16xf32>
      %min3A_123 = arith.constant 6.000000e+01 : f32
      %min3A_124 = vector.broadcast %min3A_123 : f32 to vector<16xf32>
      %min3A_125 = arith.minimumf %max3A_122, %min3A_124 : vector<16xf32>
      %exp3A_126 = math.exp %min3A_125 : vector<16xf32>
      %mul3A_127 = arith.mulf %exp3A_126, %gather3A_75 : vector<16xf32>
      %jit3A_128 = arith.constant 0.000000e+00 : f32
      %broadcast_in_dim3A_129 = vector.broadcast %jit3A_128 : f32 to vector<16xf32>
      %select_n3A_130 = arith.select %gt3A_77, %broadcast_in_dim3A_129, %mul3A_127 : vector<16xi1>, vector<16xf32>
      %broadcast_in_dim3A_131 = arith.constant 2 : i32
      %broadcast_in_dim3A_132 = vector.broadcast %broadcast_in_dim3A_131 : i32 to vector<16xi32>
      tpu.vector_store_idx %arg17[%add3A_58, %broadcast_in_dim3A_132], %mul3A_127 : memref<48x16xf32, #tpu.memory_space<vmem>>[vector<16xi32>, vector<16xi32>], vector<16xf32>,
      %mul3A_133 = arith.constant 4 : i32
      %mul3A_134 = vector.broadcast %mul3A_133 : i32 to vector<16xi32>
      %mul3A_135 = arith.muli %add3A_58, %mul3A_134 : vector<16xi32>
      %add3A_136 = arith.constant 2 : i32
      %add3A_137 = vector.broadcast %add3A_136 : i32 to vector<16xi32>
      %add3A_138 = arith.addi %mul3A_135, %add3A_137 : vector<16xi32>
      tpu.vector_store_idx %arg18[%add3A_138], %select_n3A_130 : memref<192xf32, #tpu.memory_space<vmem>>[vector<16xi32>], vector<16xf32>,
      %jit3A_139 = arith.constant 9.99999971E-10 : f32
      %broadcast_in_dim3A_140 = vector.broadcast %jit3A_139 : f32 to vector<16xf32>
      %select_n3A_141 = arith.select %gt3A_77, %broadcast_in_dim3A_140, %scan3A_69#3 : vector<16xi1>, vector<16xf32>
      %max3A_142 = arith.constant -6.000000e+01 : f32
      %max3A_143 = vector.broadcast %max3A_142 : f32 to vector<16xf32>
      %max3A_144 = arith.maximumf %select_n3A_141, %max3A_143 : vector<16xf32>
      %min3A_145 = arith.constant 6.000000e+01 : f32
      %min3A_146 = vector.broadcast %min3A_145 : f32 to vector<16xf32>
      %min3A_147 = arith.minimumf %max3A_144, %min3A_146 : vector<16xf32>
      %exp3A_148 = math.exp %min3A_147 : vector<16xf32>
      %mul3A_149 = arith.mulf %exp3A_148, %gather3A_75 : vector<16xf32>
      %jit3A_150 = arith.constant 0.000000e+00 : f32
      %broadcast_in_dim3A_151 = vector.broadcast %jit3A_150 : f32 to vector<16xf32>
      %select_n3A_152 = arith.select %gt3A_77, %broadcast_in_dim3A_151, %mul3A_149 : vector<16xi1>, vector<16xf32>
      %broadcast_in_dim3A_153 = arith.constant 3 : i32
      %broadcast_in_dim3A_154 = vector.broadcast %broadcast_in_dim3A_153 : i32 to vector<16xi32>
      tpu.vector_store_idx %arg17[%add3A_58, %broadcast_in_dim3A_154], %mul3A_149 : memref<48x16xf32, #tpu.memory_space<vmem>>[vector<16xi32>, vector<16xi32>], vector<16xf32>,
      %mul3A_155 = arith.constant 4 : i32
      %mul3A_156 = vector.broadcast %mul3A_155 : i32 to vector<16xi32>
      %mul3A_157 = arith.muli %add3A_58, %mul3A_156 : vector<16xi32>
      %add3A_158 = arith.constant 3 : i32
      %add3A_159 = vector.broadcast %add3A_158 : i32 to vector<16xi32>
      %add3A_160 = arith.addi %mul3A_157, %add3A_159 : vector<16xi32>
      tpu.vector_store_idx %arg18[%add3A_160], %select_n3A_152 : memref<192xf32, #tpu.memory_space<vmem>>[vector<16xi32>], vector<16xf32>,
      %add3A_161 = arith.constant 16 : i32
      %add3A_162 = vector.broadcast %add3A_161 : i32 to vector<16xi32>
      %add3A_163 = arith.addi %add3A_162, %iota3A : vector<16xi32>
      %scan3A_164 = arith.constant 0 : i32
      %scan3A_165 = arith.constant 32 : i32
      %scan3A_166 = arith.addi %scan3A_164, %scan3A_165 : i32
      %scan3A_167 = arith.constant 1 : i32
      %scan3A_168:4 = scf.for %scan3A_393 = %scan3A_164 to %scan3A_166 step %scan3A_167 iter_args(%scan3A_394 = %broadcast_in_dim3A_1, %scan3A_395 = %broadcast_in_dim3A_1, %scan3A_396 = %broadcast_in_dim3A_1, %scan3A_397 = %broadcast_in_dim3A_1) -> (vector<16xf32>, vector<16xf32>, vector<16xf32>, vector<16xf32>)  : i32 {
        %broadcast_in_dim3A_398 = arith.constant 0 : i32
        %broadcast_in_dim3A_399 = vector.broadcast %broadcast_in_dim3A_398 : i32 to vector<16xi32>
        %add3A_400 = vector.broadcast %scan3A_393 : i32 to vector<16xi32>
        %add3A_401 = arith.addi %broadcast_in_dim3A_399, %add3A_400 : vector<16xi32>
        %gather3A_402 = tpu.vector_load_idx %arg13[%add3A_163, %add3A_401] : memref<48x256xf32, #tpu.memory_space<vmem>>[vector<16xi32>, vector<16xi32>], vector<16xf32>,
        %gather3A_403 = tpu.vector_load_idx %arg14[%add3A_163, %add3A_401] : memref<48x256xf32, #tpu.memory_space<vmem>>[vector<16xi32>, vector<16xi32>], vector<16xf32>,
        %mul3A_404 = arith.mulf %gather3A_402, %gather3A_403 : vector<16xf32>
        %add3A_405 = arith.addf %scan3A_394, %mul3A_404 : vector<16xf32>
        %broadcast_in_dim3A_406 = arith.constant 32 : i32
        %broadcast_in_dim3A_407 = vector.broadcast %broadcast_in_dim3A_406 : i32 to vector<16xi32>
        %add3A_408 = vector.broadcast %scan3A_393 : i32 to vector<16xi32>
        %add3A_409 = arith.addi %broadcast_in_dim3A_407, %add3A_408 : vector<16xi32>
        %gather3A_410 = tpu.vector_load_idx %arg13[%add3A_163, %add3A_409] : memref<48x256xf32, #tpu.memory_space<vmem>>[vector<16xi32>, vector<16xi32>], vector<16xf32>,
        %gather3A_411 = tpu.vector_load_idx %arg14[%add3A_163, %add3A_409] : memref<48x256xf32, #tpu.memory_space<vmem>>[vector<16xi32>, vector<16xi32>], vector<16xf32>,
        %mul3A_412 = arith.mulf %gather3A_410, %gather3A_411 : vector<16xf32>
        %add3A_413 = arith.addf %scan3A_395, %mul3A_412 : vector<16xf32>
        %broadcast_in_dim3A_414 = arith.constant 64 : i32
        %broadcast_in_dim3A_415 = vector.broadcast %broadcast_in_dim3A_414 : i32 to vector<16xi32>
        %add3A_416 = vector.broadcast %scan3A_393 : i32 to vector<16xi32>
        %add3A_417 = arith.addi %broadcast_in_dim3A_415, %add3A_416 : vector<16xi32>
        %gather3A_418 = tpu.vector_load_idx %arg13[%add3A_163, %add3A_417] : memref<48x256xf32, #tpu.memory_space<vmem>>[vector<16xi32>, vector<16xi32>], vector<16xf32>,
        %gather3A_419 = tpu.vector_load_idx %arg14[%add3A_163, %add3A_417] : memref<48x256xf32, #tpu.memory_space<vmem>>[vector<16xi32>, vector<16xi32>], vector<16xf32>,
        %mul3A_420 = arith.mulf %gather3A_418, %gather3A_419 : vector<16xf32>
        %add3A_421 = arith.addf %scan3A_396, %mul3A_420 : vector<16xf32>
        %broadcast_in_dim3A_422 = arith.constant 96 : i32
        %broadcast_in_dim3A_423 = vector.broadcast %broadcast_in_dim3A_422 : i32 to vector<16xi32>
        %add3A_424 = vector.broadcast %scan3A_393 : i32 to vector<16xi32>
        %add3A_425 = arith.addi %broadcast_in_dim3A_423, %add3A_424 : vector<16xi32>
        %gather3A_426 = tpu.vector_load_idx %arg13[%add3A_163, %add3A_425] : memref<48x256xf32, #tpu.memory_space<vmem>>[vector<16xi32>, vector<16xi32>], vector<16xf32>,
        %gather3A_427 = tpu.vector_load_idx %arg14[%add3A_163, %add3A_425] : memref<48x256xf32, #tpu.memory_space<vmem>>[vector<16xi32>, vector<16xi32>], vector<16xf32>,
        %mul3A_428 = arith.mulf %gather3A_426, %gather3A_427 : vector<16xf32>
        %add3A_429 = arith.addf %scan3A_397, %mul3A_428 : vector<16xf32>
        scf.yield %add3A_405, %add3A_413, %add3A_421, %add3A_429 : vector<16xf32>, vector<16xf32>, vector<16xf32>, vector<16xf32>
      }
      %scan3A_169 = arith.constant 32 : i32
      %scan3A_170 = arith.constant 0 : i32
      %scan3A_171 = arith.constant 17 : i32
      %scan3A_172 = arith.addi %scan3A_170, %scan3A_171 : i32
      %scan3A_173 = arith.constant 1 : i32
      %scan3A_174:4 = scf.for %scan3A_393 = %scan3A_170 to %scan3A_172 step %scan3A_173 iter_args(%scan3A_394 = %scan3A_168#0, %scan3A_395 = %scan3A_168#1, %scan3A_396 = %scan3A_168#2, %scan3A_397 = %scan3A_168#3) -> (vector<16xf32>, vector<16xf32>, vector<16xf32>, vector<16xf32>)  : i32 {
        %broadcast_in_dim3A_398 = arith.constant 0 : i32
        %broadcast_in_dim3A_399 = vector.broadcast %broadcast_in_dim3A_398 : i32 to vector<16xi32>
        %add3A_400 = vector.broadcast %scan3A_393 : i32 to vector<16xi32>
        %add3A_401 = arith.addi %broadcast_in_dim3A_399, %add3A_400 : vector<16xi32>
        %gather3A_402 = tpu.vector_load_idx %arg15[%add3A_163, %add3A_401] : memref<48x32xf32, #tpu.memory_space<vmem>>[vector<16xi32>, vector<16xi32>], vector<16xf32>,
        %broadcast_in_dim3A_403 = arith.constant 128 : i32
        %broadcast_in_dim3A_404 = vector.broadcast %broadcast_in_dim3A_403 : i32 to vector<16xi32>
        %add3A_405 = vector.broadcast %scan3A_393 : i32 to vector<16xi32>
        %add3A_406 = arith.addi %broadcast_in_dim3A_404, %add3A_405 : vector<16xi32>
        %gather3A_407 = tpu.vector_load_idx %arg14[%add3A_163, %add3A_406] : memref<48x256xf32, #tpu.memory_space<vmem>>[vector<16xi32>, vector<16xi32>], vector<16xf32>,
        %mul3A_408 = arith.mulf %gather3A_407, %gather3A_402 : vector<16xf32>
        %add3A_409 = arith.addf %scan3A_394, %mul3A_408 : vector<16xf32>
        %broadcast_in_dim3A_410 = arith.constant 160 : i32
        %broadcast_in_dim3A_411 = vector.broadcast %broadcast_in_dim3A_410 : i32 to vector<16xi32>
        %add3A_412 = vector.broadcast %scan3A_393 : i32 to vector<16xi32>
        %add3A_413 = arith.addi %broadcast_in_dim3A_411, %add3A_412 : vector<16xi32>
        %gather3A_414 = tpu.vector_load_idx %arg14[%add3A_163, %add3A_413] : memref<48x256xf32, #tpu.memory_space<vmem>>[vector<16xi32>, vector<16xi32>], vector<16xf32>,
        %mul3A_415 = arith.mulf %gather3A_414, %gather3A_402 : vector<16xf32>
        %add3A_416 = arith.addf %scan3A_395, %mul3A_415 : vector<16xf32>
        %broadcast_in_dim3A_417 = arith.constant 192 : i32
        %broadcast_in_dim3A_418 = vector.broadcast %broadcast_in_dim3A_417 : i32 to vector<16xi32>
        %add3A_419 = vector.broadcast %scan3A_393 : i32 to vector<16xi32>
        %add3A_420 = arith.addi %broadcast_in_dim3A_418, %add3A_419 : vector<16xi32>
        %gather3A_421 = tpu.vector_load_idx %arg14[%add3A_163, %add3A_420] : memref<48x256xf32, #tpu.memory_space<vmem>>[vector<16xi32>, vector<16xi32>], vector<16xf32>,
        %mul3A_422 = arith.mulf %gather3A_421, %gather3A_402 : vector<16xf32>
        %add3A_423 = arith.addf %scan3A_396, %mul3A_422 : vector<16xf32>
        %broadcast_in_dim3A_424 = arith.constant 224 : i32
        %broadcast_in_dim3A_425 = vector.broadcast %broadcast_in_dim3A_424 : i32 to vector<16xi32>
        %add3A_426 = vector.broadcast %scan3A_393 : i32 to vector<16xi32>
        %add3A_427 = arith.addi %broadcast_in_dim3A_425, %add3A_426 : vector<16xi32>
        %gather3A_428 = tpu.vector_load_idx %arg14[%add3A_163, %add3A_427] : memref<48x256xf32, #tpu.memory_space<vmem>>[vector<16xi32>, vector<16xi32>], vector<16xf32>,
        %mul3A_429 = arith.mulf %gather3A_428, %gather3A_402 : vector<16xf32>
        %add3A_430 = arith.addf %scan3A_397, %mul3A_429 : vector<16xf32>
        scf.yield %add3A_409, %add3A_416, %add3A_423, %add3A_430 : vector<16xf32>, vector<16xf32>, vector<16xf32>, vector<16xf32>
      }
      %scan3A_175 = arith.constant 17 : i32
      %broadcast_in_dim3A_176 = arith.constant 17 : i32
      %broadcast_in_dim3A_177 = vector.broadcast %broadcast_in_dim3A_176 : i32 to vector<16xi32>
      %gather3A_178 = tpu.vector_load_idx %arg15[%add3A_163, %broadcast_in_dim3A_177] : memref<48x32xf32, #tpu.memory_space<vmem>>[vector<16xi32>, vector<16xi32>], vector<16xf32>,
      %broadcast_in_dim3A_179 = arith.constant 18 : i32
      %broadcast_in_dim3A_180 = vector.broadcast %broadcast_in_dim3A_179 : i32 to vector<16xi32>
      %gather3A_181 = tpu.vector_load_idx %arg15[%add3A_163, %broadcast_in_dim3A_180] : memref<48x32xf32, #tpu.memory_space<vmem>>[vector<16xi32>, vector<16xi32>], vector<16xf32>,
      %gt3A_182 = arith.constant 5.000000e-01 : f32
      %gt3A_183 = vector.broadcast %gt3A_182 : f32 to vector<16xf32>
      %gt3A_184 = arith.cmpf ogt, %gather3A_178, %gt3A_183 : vector<16xf32>
      %jit3A_185 = arith.constant 9.99999971E-10 : f32
      %broadcast_in_dim3A_186 = vector.broadcast %jit3A_185 : f32 to vector<16xf32>
      %select_n3A_187 = arith.select %gt3A_184, %broadcast_in_dim3A_186, %scan3A_174#0 : vector<16xi1>, vector<16xf32>
      %max3A_188 = arith.constant -6.000000e+01 : f32
      %max3A_189 = vector.broadcast %max3A_188 : f32 to vector<16xf32>
      %max3A_190 = arith.maximumf %select_n3A_187, %max3A_189 : vector<16xf32>
      %min3A_191 = arith.constant 6.000000e+01 : f32
      %min3A_192 = vector.broadcast %min3A_191 : f32 to vector<16xf32>
      %min3A_193 = arith.minimumf %max3A_190, %min3A_192 : vector<16xf32>
      %exp3A_194 = math.exp %min3A_193 : vector<16xf32>
      %mul3A_195 = arith.mulf %exp3A_194, %gather3A_181 : vector<16xf32>
      %jit3A_196 = arith.constant 0.000000e+00 : f32
      %broadcast_in_dim3A_197 = vector.broadcast %jit3A_196 : f32 to vector<16xf32>
      %select_n3A_198 = arith.select %gt3A_184, %broadcast_in_dim3A_197, %mul3A_195 : vector<16xi1>, vector<16xf32>
      %broadcast_in_dim3A_199 = arith.constant 0 : i32
      %broadcast_in_dim3A_200 = vector.broadcast %broadcast_in_dim3A_199 : i32 to vector<16xi32>
      tpu.vector_store_idx %arg17[%add3A_163, %broadcast_in_dim3A_200], %mul3A_195 : memref<48x16xf32, #tpu.memory_space<vmem>>[vector<16xi32>, vector<16xi32>], vector<16xf32>,
      %mul3A_201 = arith.constant 4 : i32
      %mul3A_202 = vector.broadcast %mul3A_201 : i32 to vector<16xi32>
      %mul3A_203 = arith.muli %add3A_163, %mul3A_202 : vector<16xi32>
      %add3A_204 = arith.constant 0 : i32
      %add3A_205 = vector.broadcast %add3A_204 : i32 to vector<16xi32>
      %add3A_206 = arith.addi %mul3A_203, %add3A_205 : vector<16xi32>
      tpu.vector_store_idx %arg18[%add3A_206], %select_n3A_198 : memref<192xf32, #tpu.memory_space<vmem>>[vector<16xi32>], vector<16xf32>,
      %jit3A_207 = arith.constant 9.99999971E-10 : f32
      %broadcast_in_dim3A_208 = vector.broadcast %jit3A_207 : f32 to vector<16xf32>
      %select_n3A_209 = arith.select %gt3A_184, %broadcast_in_dim3A_208, %scan3A_174#1 : vector<16xi1>, vector<16xf32>
      %max3A_210 = arith.constant -6.000000e+01 : f32
      %max3A_211 = vector.broadcast %max3A_210 : f32 to vector<16xf32>
      %max3A_212 = arith.maximumf %select_n3A_209, %max3A_211 : vector<16xf32>
      %min3A_213 = arith.constant 6.000000e+01 : f32
      %min3A_214 = vector.broadcast %min3A_213 : f32 to vector<16xf32>
      %min3A_215 = arith.minimumf %max3A_212, %min3A_214 : vector<16xf32>
      %exp3A_216 = math.exp %min3A_215 : vector<16xf32>
      %mul3A_217 = arith.mulf %exp3A_216, %gather3A_181 : vector<16xf32>
      %jit3A_218 = arith.constant 0.000000e+00 : f32
      %broadcast_in_dim3A_219 = vector.broadcast %jit3A_218 : f32 to vector<16xf32>
      %select_n3A_220 = arith.select %gt3A_184, %broadcast_in_dim3A_219, %mul3A_217 : vector<16xi1>, vector<16xf32>
      %broadcast_in_dim3A_221 = arith.constant 1 : i32
      %broadcast_in_dim3A_222 = vector.broadcast %broadcast_in_dim3A_221 : i32 to vector<16xi32>
      tpu.vector_store_idx %arg17[%add3A_163, %broadcast_in_dim3A_222], %mul3A_217 : memref<48x16xf32, #tpu.memory_space<vmem>>[vector<16xi32>, vector<16xi32>], vector<16xf32>,
      %mul3A_223 = arith.constant 4 : i32
      %mul3A_224 = vector.broadcast %mul3A_223 : i32 to vector<16xi32>
      %mul3A_225 = arith.muli %add3A_163, %mul3A_224 : vector<16xi32>
      %add3A_226 = arith.constant 1 : i32
      %add3A_227 = vector.broadcast %add3A_226 : i32 to vector<16xi32>
      %add3A_228 = arith.addi %mul3A_225, %add3A_227 : vector<16xi32>
      tpu.vector_store_idx %arg18[%add3A_228], %select_n3A_220 : memref<192xf32, #tpu.memory_space<vmem>>[vector<16xi32>], vector<16xf32>,
      %jit3A_229 = arith.constant 9.99999971E-10 : f32
      %broadcast_in_dim3A_230 = vector.broadcast %jit3A_229 : f32 to vector<16xf32>
      %select_n3A_231 = arith.select %gt3A_184, %broadcast_in_dim3A_230, %scan3A_174#2 : vector<16xi1>, vector<16xf32>
      %max3A_232 = arith.constant -6.000000e+01 : f32
      %max3A_233 = vector.broadcast %max3A_232 : f32 to vector<16xf32>
      %max3A_234 = arith.maximumf %select_n3A_231, %max3A_233 : vector<16xf32>
      %min3A_235 = arith.constant 6.000000e+01 : f32
      %min3A_236 = vector.broadcast %min3A_235 : f32 to vector<16xf32>
      %min3A_237 = arith.minimumf %max3A_234, %min3A_236 : vector<16xf32>
      %exp3A_238 = math.exp %min3A_237 : vector<16xf32>
      %mul3A_239 = arith.mulf %exp3A_238, %gather3A_181 : vector<16xf32>
      %jit3A_240 = arith.constant 0.000000e+00 : f32
      %broadcast_in_dim3A_241 = vector.broadcast %jit3A_240 : f32 to vector<16xf32>
      %select_n3A_242 = arith.select %gt3A_184, %broadcast_in_dim3A_241, %mul3A_239 : vector<16xi1>, vector<16xf32>
      %broadcast_in_dim3A_243 = arith.constant 2 : i32
      %broadcast_in_dim3A_244 = vector.broadcast %broadcast_in_dim3A_243 : i32 to vector<16xi32>
      tpu.vector_store_idx %arg17[%add3A_163, %broadcast_in_dim3A_244], %mul3A_239 : memref<48x16xf32, #tpu.memory_space<vmem>>[vector<16xi32>, vector<16xi32>], vector<16xf32>,
      %mul3A_245 = arith.constant 4 : i32
      %mul3A_246 = vector.broadcast %mul3A_245 : i32 to vector<16xi32>
      %mul3A_247 = arith.muli %add3A_163, %mul3A_246 : vector<16xi32>
      %add3A_248 = arith.constant 2 : i32
      %add3A_249 = vector.broadcast %add3A_248 : i32 to vector<16xi32>
      %add3A_250 = arith.addi %mul3A_247, %add3A_249 : vector<16xi32>
      tpu.vector_store_idx %arg18[%add3A_250], %select_n3A_242 : memref<192xf32, #tpu.memory_space<vmem>>[vector<16xi32>], vector<16xf32>,
      %jit3A_251 = arith.constant 9.99999971E-10 : f32
      %broadcast_in_dim3A_252 = vector.broadcast %jit3A_251 : f32 to vector<16xf32>
      %select_n3A_253 = arith.select %gt3A_184, %broadcast_in_dim3A_252, %scan3A_174#3 : vector<16xi1>, vector<16xf32>
      %max3A_254 = arith.constant -6.000000e+01 : f32
      %max3A_255 = vector.broadcast %max3A_254 : f32 to vector<16xf32>
      %max3A_256 = arith.maximumf %select_n3A_253, %max3A_255 : vector<16xf32>
      %min3A_257 = arith.constant 6.000000e+01 : f32
      %min3A_258 = vector.broadcast %min3A_257 : f32 to vector<16xf32>
      %min3A_259 = arith.minimumf %max3A_256, %min3A_258 : vector<16xf32>
      %exp3A_260 = math.exp %min3A_259 : vector<16xf32>
      %mul3A_261 = arith.mulf %exp3A_260, %gather3A_181 : vector<16xf32>
      %jit3A_262 = arith.constant 0.000000e+00 : f32
      %broadcast_in_dim3A_263 = vector.broadcast %jit3A_262 : f32 to vector<16xf32>
      %select_n3A_264 = arith.select %gt3A_184, %broadcast_in_dim3A_263, %mul3A_261 : vector<16xi1>, vector<16xf32>
      %broadcast_in_dim3A_265 = arith.constant 3 : i32
      %broadcast_in_dim3A_266 = vector.broadcast %broadcast_in_dim3A_265 : i32 to vector<16xi32>
      tpu.vector_store_idx %arg17[%add3A_163, %broadcast_in_dim3A_266], %mul3A_261 : memref<48x16xf32, #tpu.memory_space<vmem>>[vector<16xi32>, vector<16xi32>], vector<16xf32>,
      %mul3A_267 = arith.constant 4 : i32
      %mul3A_268 = vector.broadcast %mul3A_267 : i32 to vector<16xi32>
      %mul3A_269 = arith.muli %add3A_163, %mul3A_268 : vector<16xi32>
      %add3A_270 = arith.constant 3 : i32
      %add3A_271 = vector.broadcast %add3A_270 : i32 to vector<16xi32>
      %add3A_272 = arith.addi %mul3A_269, %add3A_271 : vector<16xi32>
      tpu.vector_store_idx %arg18[%add3A_272], %select_n3A_264 : memref<192xf32, #tpu.memory_space<vmem>>[vector<16xi32>], vector<16xf32>,
      %add3A_273 = arith.constant 32 : i32
      %add3A_274 = vector.broadcast %add3A_273 : i32 to vector<16xi32>
      %add3A_275 = arith.addi %add3A_274, %iota3A : vector<16xi32>
      %scan3A_276 = arith.constant 0 : i32
      %scan3A_277 = arith.constant 32 : i32
      %scan3A_278 = arith.addi %scan3A_276, %scan3A_277 : i32
      %scan3A_279 = arith.constant 1 : i32
      %scan3A_280:4 = scf.for %scan3A_393 = %scan3A_276 to %scan3A_278 step %scan3A_279 iter_args(%scan3A_394 = %broadcast_in_dim3A_1, %scan3A_395 = %broadcast_in_dim3A_1, %scan3A_396 = %broadcast_in_dim3A_1, %scan3A_397 = %broadcast_in_dim3A_1) -> (vector<16xf32>, vector<16xf32>, vector<16xf32>, vector<16xf32>)  : i32 {
        %broadcast_in_dim3A_398 = arith.constant 0 : i32
        %broadcast_in_dim3A_399 = vector.broadcast %broadcast_in_dim3A_398 : i32 to vector<16xi32>
        %add3A_400 = vector.broadcast %scan3A_393 : i32 to vector<16xi32>
        %add3A_401 = arith.addi %broadcast_in_dim3A_399, %add3A_400 : vector<16xi32>
        %gather3A_402 = tpu.vector_load_idx %arg13[%add3A_275, %add3A_401] : memref<48x256xf32, #tpu.memory_space<vmem>>[vector<16xi32>, vector<16xi32>], vector<16xf32>,
        %gather3A_403 = tpu.vector_load_idx %arg14[%add3A_275, %add3A_401] : memref<48x256xf32, #tpu.memory_space<vmem>>[vector<16xi32>, vector<16xi32>], vector<16xf32>,
        %mul3A_404 = arith.mulf %gather3A_402, %gather3A_403 : vector<16xf32>
        %add3A_405 = arith.addf %scan3A_394, %mul3A_404 : vector<16xf32>
        %broadcast_in_dim3A_406 = arith.constant 32 : i32
        %broadcast_in_dim3A_407 = vector.broadcast %broadcast_in_dim3A_406 : i32 to vector<16xi32>
        %add3A_408 = vector.broadcast %scan3A_393 : i32 to vector<16xi32>
        %add3A_409 = arith.addi %broadcast_in_dim3A_407, %add3A_408 : vector<16xi32>
        %gather3A_410 = tpu.vector_load_idx %arg13[%add3A_275, %add3A_409] : memref<48x256xf32, #tpu.memory_space<vmem>>[vector<16xi32>, vector<16xi32>], vector<16xf32>,
        %gather3A_411 = tpu.vector_load_idx %arg14[%add3A_275, %add3A_409] : memref<48x256xf32, #tpu.memory_space<vmem>>[vector<16xi32>, vector<16xi32>], vector<16xf32>,
        %mul3A_412 = arith.mulf %gather3A_410, %gather3A_411 : vector<16xf32>
        %add3A_413 = arith.addf %scan3A_395, %mul3A_412 : vector<16xf32>
        %broadcast_in_dim3A_414 = arith.constant 64 : i32
        %broadcast_in_dim3A_415 = vector.broadcast %broadcast_in_dim3A_414 : i32 to vector<16xi32>
        %add3A_416 = vector.broadcast %scan3A_393 : i32 to vector<16xi32>
        %add3A_417 = arith.addi %broadcast_in_dim3A_415, %add3A_416 : vector<16xi32>
        %gather3A_418 = tpu.vector_load_idx %arg13[%add3A_275, %add3A_417] : memref<48x256xf32, #tpu.memory_space<vmem>>[vector<16xi32>, vector<16xi32>], vector<16xf32>,
        %gather3A_419 = tpu.vector_load_idx %arg14[%add3A_275, %add3A_417] : memref<48x256xf32, #tpu.memory_space<vmem>>[vector<16xi32>, vector<16xi32>], vector<16xf32>,
        %mul3A_420 = arith.mulf %gather3A_418, %gather3A_419 : vector<16xf32>
        %add3A_421 = arith.addf %scan3A_396, %mul3A_420 : vector<16xf32>
        %broadcast_in_dim3A_422 = arith.constant 96 : i32
        %broadcast_in_dim3A_423 = vector.broadcast %broadcast_in_dim3A_422 : i32 to vector<16xi32>
        %add3A_424 = vector.broadcast %scan3A_393 : i32 to vector<16xi32>
        %add3A_425 = arith.addi %broadcast_in_dim3A_423, %add3A_424 : vector<16xi32>
        %gather3A_426 = tpu.vector_load_idx %arg13[%add3A_275, %add3A_425] : memref<48x256xf32, #tpu.memory_space<vmem>>[vector<16xi32>, vector<16xi32>], vector<16xf32>,
        %gather3A_427 = tpu.vector_load_idx %arg14[%add3A_275, %add3A_425] : memref<48x256xf32, #tpu.memory_space<vmem>>[vector<16xi32>, vector<16xi32>], vector<16xf32>,
        %mul3A_428 = arith.mulf %gather3A_426, %gather3A_427 : vector<16xf32>
        %add3A_429 = arith.addf %scan3A_397, %mul3A_428 : vector<16xf32>
        scf.yield %add3A_405, %add3A_413, %add3A_421, %add3A_429 : vector<16xf32>, vector<16xf32>, vector<16xf32>, vector<16xf32>
      }
      %scan3A_281 = arith.constant 32 : i32
      %scan3A_282 = arith.constant 0 : i32
      %scan3A_283 = arith.constant 17 : i32
      %scan3A_284 = arith.addi %scan3A_282, %scan3A_283 : i32
      %scan3A_285 = arith.constant 1 : i32
      %scan3A_286:4 = scf.for %scan3A_393 = %scan3A_282 to %scan3A_284 step %scan3A_285 iter_args(%scan3A_394 = %scan3A_280#0, %scan3A_395 = %scan3A_280#1, %scan3A_396 = %scan3A_280#2, %scan3A_397 = %scan3A_280#3) -> (vector<16xf32>, vector<16xf32>, vector<16xf32>, vector<16xf32>)  : i32 {
        %broadcast_in_dim3A_398 = arith.constant 0 : i32
        %broadcast_in_dim3A_399 = vector.broadcast %broadcast_in_dim3A_398 : i32 to vector<16xi32>
        %add3A_400 = vector.broadcast %scan3A_393 : i32 to vector<16xi32>
        %add3A_401 = arith.addi %broadcast_in_dim3A_399, %add3A_400 : vector<16xi32>
        %gather3A_402 = tpu.vector_load_idx %arg15[%add3A_275, %add3A_401] : memref<48x32xf32, #tpu.memory_space<vmem>>[vector<16xi32>, vector<16xi32>], vector<16xf32>,
        %broadcast_in_dim3A_403 = arith.constant 128 : i32
        %broadcast_in_dim3A_404 = vector.broadcast %broadcast_in_dim3A_403 : i32 to vector<16xi32>
        %add3A_405 = vector.broadcast %scan3A_393 : i32 to vector<16xi32>
        %add3A_406 = arith.addi %broadcast_in_dim3A_404, %add3A_405 : vector<16xi32>
        %gather3A_407 = tpu.vector_load_idx %arg14[%add3A_275, %add3A_406] : memref<48x256xf32, #tpu.memory_space<vmem>>[vector<16xi32>, vector<16xi32>], vector<16xf32>,
        %mul3A_408 = arith.mulf %gather3A_407, %gather3A_402 : vector<16xf32>
        %add3A_409 = arith.addf %scan3A_394, %mul3A_408 : vector<16xf32>
        %broadcast_in_dim3A_410 = arith.constant 160 : i32
        %broadcast_in_dim3A_411 = vector.broadcast %broadcast_in_dim3A_410 : i32 to vector<16xi32>
        %add3A_412 = vector.broadcast %scan3A_393 : i32 to vector<16xi32>
        %add3A_413 = arith.addi %broadcast_in_dim3A_411, %add3A_412 : vector<16xi32>
        %gather3A_414 = tpu.vector_load_idx %arg14[%add3A_275, %add3A_413] : memref<48x256xf32, #tpu.memory_space<vmem>>[vector<16xi32>, vector<16xi32>], vector<16xf32>,
        %mul3A_415 = arith.mulf %gather3A_414, %gather3A_402 : vector<16xf32>
        %add3A_416 = arith.addf %scan3A_395, %mul3A_415 : vector<16xf32>
        %broadcast_in_dim3A_417 = arith.constant 192 : i32
        %broadcast_in_dim3A_418 = vector.broadcast %broadcast_in_dim3A_417 : i32 to vector<16xi32>
        %add3A_419 = vector.broadcast %scan3A_393 : i32 to vector<16xi32>
        %add3A_420 = arith.addi %broadcast_in_dim3A_418, %add3A_419 : vector<16xi32>
        %gather3A_421 = tpu.vector_load_idx %arg14[%add3A_275, %add3A_420] : memref<48x256xf32, #tpu.memory_space<vmem>>[vector<16xi32>, vector<16xi32>], vector<16xf32>,
        %mul3A_422 = arith.mulf %gather3A_421, %gather3A_402 : vector<16xf32>
        %add3A_423 = arith.addf %scan3A_396, %mul3A_422 : vector<16xf32>
        %broadcast_in_dim3A_424 = arith.constant 224 : i32
        %broadcast_in_dim3A_425 = vector.broadcast %broadcast_in_dim3A_424 : i32 to vector<16xi32>
        %add3A_426 = vector.broadcast %scan3A_393 : i32 to vector<16xi32>
        %add3A_427 = arith.addi %broadcast_in_dim3A_425, %add3A_426 : vector<16xi32>
        %gather3A_428 = tpu.vector_load_idx %arg14[%add3A_275, %add3A_427] : memref<48x256xf32, #tpu.memory_space<vmem>>[vector<16xi32>, vector<16xi32>], vector<16xf32>,
        %mul3A_429 = arith.mulf %gather3A_428, %gather3A_402 : vector<16xf32>
        %add3A_430 = arith.addf %scan3A_397, %mul3A_429 : vector<16xf32>
        scf.yield %add3A_409, %add3A_416, %add3A_423, %add3A_430 : vector<16xf32>, vector<16xf32>, vector<16xf32>, vector<16xf32>
      }
      %scan3A_287 = arith.constant 17 : i32
      %broadcast_in_dim3A_288 = arith.constant 17 : i32
      %broadcast_in_dim3A_289 = vector.broadcast %broadcast_in_dim3A_288 : i32 to vector<16xi32>
      %gather3A_290 = tpu.vector_load_idx %arg15[%add3A_275, %broadcast_in_dim3A_289] : memref<48x32xf32, #tpu.memory_space<vmem>>[vector<16xi32>, vector<16xi32>], vector<16xf32>,
      %broadcast_in_dim3A_291 = arith.constant 18 : i32
      %broadcast_in_dim3A_292 = vector.broadcast %broadcast_in_dim3A_291 : i32 to vector<16xi32>
      %gather3A_293 = tpu.vector_load_idx %arg15[%add3A_275, %broadcast_in_dim3A_292] : memref<48x32xf32, #tpu.memory_space<vmem>>[vector<16xi32>, vector<16xi32>], vector<16xf32>,
      %gt3A_294 = arith.constant 5.000000e-01 : f32
      %gt3A_295 = vector.broadcast %gt3A_294 : f32 to vector<16xf32>
      %gt3A_296 = arith.cmpf ogt, %gather3A_290, %gt3A_295 : vector<16xf32>
      %jit3A_297 = arith.constant 9.99999971E-10 : f32
      %broadcast_in_dim3A_298 = vector.broadcast %jit3A_297 : f32 to vector<16xf32>
      %select_n3A_299 = arith.select %gt3A_296, %broadcast_in_dim3A_298, %scan3A_286#0 : vector<16xi1>, vector<16xf32>
      %max3A_300 = arith.constant -6.000000e+01 : f32
      %max3A_301 = vector.broadcast %max3A_300 : f32 to vector<16xf32>
      %max3A_302 = arith.maximumf %select_n3A_299, %max3A_301 : vector<16xf32>
      %min3A_303 = arith.constant 6.000000e+01 : f32
      %min3A_304 = vector.broadcast %min3A_303 : f32 to vector<16xf32>
      %min3A_305 = arith.minimumf %max3A_302, %min3A_304 : vector<16xf32>
      %exp3A_306 = math.exp %min3A_305 : vector<16xf32>
      %mul3A_307 = arith.mulf %exp3A_306, %gather3A_293 : vector<16xf32>
      %jit3A_308 = arith.constant 0.000000e+00 : f32
      %broadcast_in_dim3A_309 = vector.broadcast %jit3A_308 : f32 to vector<16xf32>
      %select_n3A_310 = arith.select %gt3A_296, %broadcast_in_dim3A_309, %mul3A_307 : vector<16xi1>, vector<16xf32>
      %broadcast_in_dim3A_311 = arith.constant 0 : i32
      %broadcast_in_dim3A_312 = vector.broadcast %broadcast_in_dim3A_311 : i32 to vector<16xi32>
      tpu.vector_store_idx %arg17[%add3A_275, %broadcast_in_dim3A_312], %mul3A_307 : memref<48x16xf32, #tpu.memory_space<vmem>>[vector<16xi32>, vector<16xi32>], vector<16xf32>,
      %mul3A_313 = arith.constant 4 : i32
      %mul3A_314 = vector.broadcast %mul3A_313 : i32 to vector<16xi32>
      %mul3A_315 = arith.muli %add3A_275, %mul3A_314 : vector<16xi32>
      %add3A_316 = arith.constant 0 : i32
      %add3A_317 = vector.broadcast %add3A_316 : i32 to vector<16xi32>
      %add3A_318 = arith.addi %mul3A_315, %add3A_317 : vector<16xi32>
      tpu.vector_store_idx %arg18[%add3A_318], %select_n3A_310 : memref<192xf32, #tpu.memory_space<vmem>>[vector<16xi32>], vector<16xf32>,
      %jit3A_319 = arith.constant 9.99999971E-10 : f32
      %broadcast_in_dim3A_320 = vector.broadcast %jit3A_319 : f32 to vector<16xf32>
      %select_n3A_321 = arith.select %gt3A_296, %broadcast_in_dim3A_320, %scan3A_286#1 : vector<16xi1>, vector<16xf32>
      %max3A_322 = arith.constant -6.000000e+01 : f32
      %max3A_323 = vector.broadcast %max3A_322 : f32 to vector<16xf32>
      %max3A_324 = arith.maximumf %select_n3A_321, %max3A_323 : vector<16xf32>
      %min3A_325 = arith.constant 6.000000e+01 : f32
      %min3A_326 = vector.broadcast %min3A_325 : f32 to vector<16xf32>
      %min3A_327 = arith.minimumf %max3A_324, %min3A_326 : vector<16xf32>
      %exp3A_328 = math.exp %min3A_327 : vector<16xf32>
      %mul3A_329 = arith.mulf %exp3A_328, %gather3A_293 : vector<16xf32>
      %jit3A_330 = arith.constant 0.000000e+00 : f32
      %broadcast_in_dim3A_331 = vector.broadcast %jit3A_330 : f32 to vector<16xf32>
      %select_n3A_332 = arith.select %gt3A_296, %broadcast_in_dim3A_331, %mul3A_329 : vector<16xi1>, vector<16xf32>
      %broadcast_in_dim3A_333 = arith.constant 1 : i32
      %broadcast_in_dim3A_334 = vector.broadcast %broadcast_in_dim3A_333 : i32 to vector<16xi32>
      tpu.vector_store_idx %arg17[%add3A_275, %broadcast_in_dim3A_334], %mul3A_329 : memref<48x16xf32, #tpu.memory_space<vmem>>[vector<16xi32>, vector<16xi32>], vector<16xf32>,
      %mul3A_335 = arith.constant 4 : i32
      %mul3A_336 = vector.broadcast %mul3A_335 : i32 to vector<16xi32>
      %mul3A_337 = arith.muli %add3A_275, %mul3A_336 : vector<16xi32>
      %add3A_338 = arith.constant 1 : i32
      %add3A_339 = vector.broadcast %add3A_338 : i32 to vector<16xi32>
      %add3A_340 = arith.addi %mul3A_337, %add3A_339 : vector<16xi32>
      tpu.vector_store_idx %arg18[%add3A_340], %select_n3A_332 : memref<192xf32, #tpu.memory_space<vmem>>[vector<16xi32>], vector<16xf32>,
      %jit3A_341 = arith.constant 9.99999971E-10 : f32
      %broadcast_in_dim3A_342 = vector.broadcast %jit3A_341 : f32 to vector<16xf32>
      %select_n3A_343 = arith.select %gt3A_296, %broadcast_in_dim3A_342, %scan3A_286#2 : vector<16xi1>, vector<16xf32>
      %max3A_344 = arith.constant -6.000000e+01 : f32
      %max3A_345 = vector.broadcast %max3A_344 : f32 to vector<16xf32>
      %max3A_346 = arith.maximumf %select_n3A_343, %max3A_345 : vector<16xf32>
      %min3A_347 = arith.constant 6.000000e+01 : f32
      %min3A_348 = vector.broadcast %min3A_347 : f32 to vector<16xf32>
      %min3A_349 = arith.minimumf %max3A_346, %min3A_348 : vector<16xf32>
      %exp3A_350 = math.exp %min3A_349 : vector<16xf32>
      %mul3A_351 = arith.mulf %exp3A_350, %gather3A_293 : vector<16xf32>
      %jit3A_352 = arith.constant 0.000000e+00 : f32
      %broadcast_in_dim3A_353 = vector.broadcast %jit3A_352 : f32 to vector<16xf32>
      %select_n3A_354 = arith.select %gt3A_296, %broadcast_in_dim3A_353, %mul3A_351 : vector<16xi1>, vector<16xf32>
      %broadcast_in_dim3A_355 = arith.constant 2 : i32
      %broadcast_in_dim3A_356 = vector.broadcast %broadcast_in_dim3A_355 : i32 to vector<16xi32>
      tpu.vector_store_idx %arg17[%add3A_275, %broadcast_in_dim3A_356], %mul3A_351 : memref<48x16xf32, #tpu.memory_space<vmem>>[vector<16xi32>, vector<16xi32>], vector<16xf32>,
      %mul3A_357 = arith.constant 4 : i32
      %mul3A_358 = vector.broadcast %mul3A_357 : i32 to vector<16xi32>
      %mul3A_359 = arith.muli %add3A_275, %mul3A_358 : vector<16xi32>
      %add3A_360 = arith.constant 2 : i32
      %add3A_361 = vector.broadcast %add3A_360 : i32 to vector<16xi32>
      %add3A_362 = arith.addi %mul3A_359, %add3A_361 : vector<16xi32>
      tpu.vector_store_idx %arg18[%add3A_362], %select_n3A_354 : memref<192xf32, #tpu.memory_space<vmem>>[vector<16xi32>], vector<16xf32>,
      %jit3A_363 = arith.constant 9.99999971E-10 : f32
      %broadcast_in_dim3A_364 = vector.broadcast %jit3A_363 : f32 to vector<16xf32>
      %select_n3A_365 = arith.select %gt3A_296, %broadcast_in_dim3A_364, %scan3A_286#3 : vector<16xi1>, vector<16xf32>
      %max3A_366 = arith.constant -6.000000e+01 : f32
      %max3A_367 = vector.broadcast %max3A_366 : f32 to vector<16xf32>
      %max3A_368 = arith.maximumf %select_n3A_365, %max3A_367 : vector<16xf32>
      %min3A_369 = arith.constant 6.000000e+01 : f32
      %min3A_370 = vector.broadcast %min3A_369 : f32 to vector<16xf32>
      %min3A_371 = arith.minimumf %max3A_368, %min3A_370 : vector<16xf32>
      %exp3A_372 = math.exp %min3A_371 : vector<16xf32>
      %mul3A_373 = arith.mulf %exp3A_372, %gather3A_293 : vector<16xf32>
      %jit3A_374 = arith.constant 0.000000e+00 : f32
      %broadcast_in_dim3A_375 = vector.broadcast %jit3A_374 : f32 to vector<16xf32>
      %select_n3A_376 = arith.select %gt3A_296, %broadcast_in_dim3A_375, %mul3A_373 : vector<16xi1>, vector<16xf32>
      %broadcast_in_dim3A_377 = arith.constant 3 : i32
      %broadcast_in_dim3A_378 = vector.broadcast %broadcast_in_dim3A_377 : i32 to vector<16xi32>
      tpu.vector_store_idx %arg17[%add3A_275, %broadcast_in_dim3A_378], %mul3A_373 : memref<48x16xf32, #tpu.memory_space<vmem>>[vector<16xi32>, vector<16xi32>], vector<16xf32>,
      %mul3A_379 = arith.constant 4 : i32
      %mul3A_380 = vector.broadcast %mul3A_379 : i32 to vector<16xi32>
      %mul3A_381 = arith.muli %add3A_275, %mul3A_380 : vector<16xi32>
      %add3A_382 = arith.constant 3 : i32
      %add3A_383 = vector.broadcast %add3A_382 : i32 to vector<16xi32>
      %add3A_384 = arith.addi %mul3A_381, %add3A_383 : vector<16xi32>
      tpu.vector_store_idx %arg18[%add3A_384], %select_n3A_376 : memref<192xf32, #tpu.memory_space<vmem>>[vector<16xi32>], vector<16xf32>,
      %scan3A_385 = arith.constant 0 : i32
      %scan3A_386 = arith.constant 0 : i32
      %scan3A_387 = arith.constant 48 : i32
      %scan3A_388 = arith.addi %scan3A_386, %scan3A_387 : i32
      %scan3A_389 = arith.constant 1 : i32
      %scan3A_390 = scf.for %scan3A_393 = %scan3A_386 to %scan3A_388 step %scan3A_389 iter_args(%scan3A_394 = %scan3A_385) -> (i32)  : i32 {
        %mul3A_395 = arith.constant 4 : i32
        %mul3A_396 = arith.muli %scan3A_393, %mul3A_395 : i32
        %add3A_397 = arith.constant 0 : i32
        %add3A_398 = arith.addi %mul3A_396, %add3A_397 : i32
        %broadcast_in_dim3A_399 = vector.broadcast %add3A_398 : i32 to vector<16xi32>
        %gather3A_400 = tpu.vector_load_idx %arg18[%broadcast_in_dim3A_399] : memref<192xf32, #tpu.memory_space<vmem>>[vector<16xi32>], vector<16xf32>,
        %get3A = arith.index_cast %scan3A_393 : i32 to index
        %get3A_401 = arith.constant 128 : index
        %get3A_402 = tpu.vector_load %arg13[%get3A, %get3A_401] {strides = array<i32>} : memref<48x256xf32, #tpu.memory_space<vmem>>, vector<16xf32>,
        %mul3A_403 = arith.mulf %get3A_402, %gather3A_400 : vector<16xf32>
        %swap3A = arith.index_cast %scan3A_393 : i32 to index
        %swap3A_404 = arith.constant 0 : index
        %swap3A_405 = tpu.vector_load %arg16[%swap3A, %swap3A_404] {strides = array<i32>} : memref<48x128xf32, #tpu.memory_space<vmem>>, vector<16xf32>,
        tpu.vector_store %arg16[%swap3A, %swap3A_404], %mul3A_403 {strides = array<i32>} : memref<48x128xf32, #tpu.memory_space<vmem>>, vector<16xf32>,
        %get3A_406 = arith.index_cast %scan3A_393 : i32 to index
        %get3A_407 = arith.constant 144 : index
        %get3A_408 = tpu.vector_load %arg13[%get3A_406, %get3A_407] {strides = array<i32>} : memref<48x256xf32, #tpu.memory_space<vmem>>, vector<16xf32>,
        %mul3A_409 = arith.mulf %get3A_408, %gather3A_400 : vector<16xf32>
        %swap3A_410 = arith.index_cast %scan3A_393 : i32 to index
        %swap3A_411 = arith.constant 16 : index
        %swap3A_412 = tpu.vector_load %arg16[%swap3A_410, %swap3A_411] {strides = array<i32>} : memref<48x128xf32, #tpu.memory_space<vmem>>, vector<16xf32>,
        tpu.vector_store %arg16[%swap3A_410, %swap3A_411], %mul3A_409 {strides = array<i32>} : memref<48x128xf32, #tpu.memory_space<vmem>>, vector<16xf32>,
        %mul3A_413 = arith.constant 4 : i32
        %mul3A_414 = arith.muli %scan3A_393, %mul3A_413 : i32
        %add3A_415 = arith.constant 1 : i32
        %add3A_416 = arith.addi %mul3A_414, %add3A_415 : i32
        %broadcast_in_dim3A_417 = vector.broadcast %add3A_416 : i32 to vector<16xi32>
        %gather3A_418 = tpu.vector_load_idx %arg18[%broadcast_in_dim3A_417] : memref<192xf32, #tpu.memory_space<vmem>>[vector<16xi32>], vector<16xf32>,
        %get3A_419 = arith.index_cast %scan3A_393 : i32 to index
        %get3A_420 = arith.constant 160 : index
        %get3A_421 = tpu.vector_load %arg13[%get3A_419, %get3A_420] {strides = array<i32>} : memref<48x256xf32, #tpu.memory_space<vmem>>, vector<16xf32>,
        %mul3A_422 = arith.mulf %get3A_421, %gather3A_418 : vector<16xf32>
        %swap3A_423 = arith.index_cast %scan3A_393 : i32 to index
        %swap3A_424 = arith.constant 32 : index
        %swap3A_425 = tpu.vector_load %arg16[%swap3A_423, %swap3A_424] {strides = array<i32>} : memref<48x128xf32, #tpu.memory_space<vmem>>, vector<16xf32>,
        tpu.vector_store %arg16[%swap3A_423, %swap3A_424], %mul3A_422 {strides = array<i32>} : memref<48x128xf32, #tpu.memory_space<vmem>>, vector<16xf32>,
        %get3A_426 = arith.index_cast %scan3A_393 : i32 to index
        %get3A_427 = arith.constant 176 : index
        %get3A_428 = tpu.vector_load %arg13[%get3A_426, %get3A_427] {strides = array<i32>} : memref<48x256xf32, #tpu.memory_space<vmem>>, vector<16xf32>,
        %mul3A_429 = arith.mulf %get3A_428, %gather3A_418 : vector<16xf32>
        %swap3A_430 = arith.index_cast %scan3A_393 : i32 to index
        %swap3A_431 = arith.constant 48 : index
        %swap3A_432 = tpu.vector_load %arg16[%swap3A_430, %swap3A_431] {strides = array<i32>} : memref<48x128xf32, #tpu.memory_space<vmem>>, vector<16xf32>,
        tpu.vector_store %arg16[%swap3A_430, %swap3A_431], %mul3A_429 {strides = array<i32>} : memref<48x128xf32, #tpu.memory_space<vmem>>, vector<16xf32>,
        %mul3A_433 = arith.constant 4 : i32
        %mul3A_434 = arith.muli %scan3A_393, %mul3A_433 : i32
        %add3A_435 = arith.constant 2 : i32
        %add3A_436 = arith.addi %mul3A_434, %add3A_435 : i32
        %broadcast_in_dim3A_437 = vector.broadcast %add3A_436 : i32 to vector<16xi32>
        %gather3A_438 = tpu.vector_load_idx %arg18[%broadcast_in_dim3A_437] : memref<192xf32, #tpu.memory_space<vmem>>[vector<16xi32>], vector<16xf32>,
        %get3A_439 = arith.index_cast %scan3A_393 : i32 to index
        %get3A_440 = arith.constant 192 : index
        %get3A_441 = tpu.vector_load %arg13[%get3A_439, %get3A_440] {strides = array<i32>} : memref<48x256xf32, #tpu.memory_space<vmem>>, vector<16xf32>,
        %mul3A_442 = arith.mulf %get3A_441, %gather3A_438 : vector<16xf32>
        %swap3A_443 = arith.index_cast %scan3A_393 : i32 to index
        %swap3A_444 = arith.constant 64 : index
        %swap3A_445 = tpu.vector_load %arg16[%swap3A_443, %swap3A_444] {strides = array<i32>} : memref<48x128xf32, #tpu.memory_space<vmem>>, vector<16xf32>,
        tpu.vector_store %arg16[%swap3A_443, %swap3A_444], %mul3A_442 {strides = array<i32>} : memref<48x128xf32, #tpu.memory_space<vmem>>, vector<16xf32>,
        %get3A_446 = arith.index_cast %scan3A_393 : i32 to index
        %get3A_447 = arith.constant 208 : index
        %get3A_448 = tpu.vector_load %arg13[%get3A_446, %get3A_447] {strides = array<i32>} : memref<48x256xf32, #tpu.memory_space<vmem>>, vector<16xf32>,
        %mul3A_449 = arith.mulf %get3A_448, %gather3A_438 : vector<16xf32>
        %swap3A_450 = arith.index_cast %scan3A_393 : i32 to index
        %swap3A_451 = arith.constant 80 : index
        %swap3A_452 = tpu.vector_load %arg16[%swap3A_450, %swap3A_451] {strides = array<i32>} : memref<48x128xf32, #tpu.memory_space<vmem>>, vector<16xf32>,
        tpu.vector_store %arg16[%swap3A_450, %swap3A_451], %mul3A_449 {strides = array<i32>} : memref<48x128xf32, #tpu.memory_space<vmem>>, vector<16xf32>,
        %mul3A_453 = arith.constant 4 : i32
        %mul3A_454 = arith.muli %scan3A_393, %mul3A_453 : i32
        %add3A_455 = arith.constant 3 : i32
        %add3A_456 = arith.addi %mul3A_454, %add3A_455 : i32
        %broadcast_in_dim3A_457 = vector.broadcast %add3A_456 : i32 to vector<16xi32>
        %gather3A_458 = tpu.vector_load_idx %arg18[%broadcast_in_dim3A_457] : memref<192xf32, #tpu.memory_space<vmem>>[vector<16xi32>], vector<16xf32>,
        %get3A_459 = arith.index_cast %scan3A_393 : i32 to index
        %get3A_460 = arith.constant 224 : index
        %get3A_461 = tpu.vector_load %arg13[%get3A_459, %get3A_460] {strides = array<i32>} : memref<48x256xf32, #tpu.memory_space<vmem>>, vector<16xf32>,
        %mul3A_462 = arith.mulf %get3A_461, %gather3A_458 : vector<16xf32>
        %swap3A_463 = arith.index_cast %scan3A_393 : i32 to index
        %swap3A_464 = arith.constant 96 : index
        %swap3A_465 = tpu.vector_load %arg16[%swap3A_463, %swap3A_464] {strides = array<i32>} : memref<48x128xf32, #tpu.memory_space<vmem>>, vector<16xf32>,
        tpu.vector_store %arg16[%swap3A_463, %swap3A_464], %mul3A_462 {strides = array<i32>} : memref<48x128xf32, #tpu.memory_space<vmem>>, vector<16xf32>,
        %get3A_466 = arith.index_cast %scan3A_393 : i32 to index
        %get3A_467 = arith.constant 240 : index
        %get3A_468 = tpu.vector_load %arg13[%get3A_466, %get3A_467] {strides = array<i32>} : memref<48x256xf32, #tpu.memory_space<vmem>>, vector<16xf32>,
        %mul3A_469 = arith.mulf %get3A_468, %gather3A_458 : vector<16xf32>
        %swap3A_470 = arith.index_cast %scan3A_393 : i32 to index
        %swap3A_471 = arith.constant 112 : index
        %swap3A_472 = tpu.vector_load %arg16[%swap3A_470, %swap3A_471] {strides = array<i32>} : memref<48x128xf32, #tpu.memory_space<vmem>>, vector<16xf32>,
        tpu.vector_store %arg16[%swap3A_470, %swap3A_471], %mul3A_469 {strides = array<i32>} : memref<48x128xf32, #tpu.memory_space<vmem>>, vector<16xf32>,
        %scan3A_473 = arith.constant 0 : i32
        scf.yield %scan3A_473 : i32
      }
      %scan3A_391 = arith.constant 48 : i32
      "tpu.region"() ({
        %run_scoped3A = tpu.sem_alloc : memref<!tpu.dma_semaphore, #tpu.memory_space<semaphore_mem>>
        %dma_start3A_393 = arith.constant 0 : i32
        %dma_start3A_394 = arith.constant 0 : i32
        %dma_start3A_395 = tpu.memref_slice %arg20[%dma_start3A_393, %dma_start3A_394] : memref<10000x16xf32, #tpu.memory_space<vmem_shared>> -> memref<10000x16xf32, #tpu.memory_space<vmem_shared>>
        tpu.enqueue_indirect_dma source(%arg17 : memref<48x16xf32, #tpu.memory_space<vmem>>) target(%dma_start3A_395 : memref<10000x16xf32, #tpu.memory_space<vmem_shared>>) offsets(%arg12 : memref<48xi32, #tpu.memory_space<vmem>>) semaphore(%run_scoped3A : memref<!tpu.dma_semaphore, #tpu.memory_space<semaphore_mem>>) {add = true}
        %dma_wait3A_396 = arith.constant 0 : i32
        %dma_wait3A_397 = arith.constant 0 : i32
        %dma_wait3A_398 = tpu.memref_slice %arg20[%dma_wait3A_396, %dma_wait3A_397] : memref<10000x16xf32, #tpu.memory_space<vmem_shared>> -> memref<10000x16xf32, #tpu.memory_space<vmem_shared>>
        tpu.wait_indirect_dma semaphore(%run_scoped3A : memref<!tpu.dma_semaphore, #tpu.memory_space<semaphore_mem>>) src(%arg17 : memref<48x16xf32, #tpu.memory_space<vmem>>) dst(%dma_wait3A_398 : memref<10000x16xf32, #tpu.memory_space<vmem_shared>>)
        tpu.yield
      }) : () -> ()
      "tpu.region"() ({
        %run_scoped3A = tpu.sem_alloc : memref<!tpu.dma_semaphore, #tpu.memory_space<semaphore_mem>>
        %dma_start3A_393 = arith.constant 0 : i32
        %dma_start3A_394 = arith.constant 0 : i32
        %dma_start3A_395 = tpu.memref_slice %arg19[%dma_start3A_393, %dma_start3A_394] : memref<10000x128xf32, #tpu.memory_space<vmem_shared>> -> memref<10000x128xf32, #tpu.memory_space<vmem_shared>>
        tpu.enqueue_indirect_dma source(%arg16 : memref<48x128xf32, #tpu.memory_space<vmem>>) target(%dma_start3A_395 : memref<10000x128xf32, #tpu.memory_space<vmem_shared>>) offsets(%arg12 : memref<48xi32, #tpu.memory_space<vmem>>) semaphore(%run_scoped3A : memref<!tpu.dma_semaphore, #tpu.memory_space<semaphore_mem>>) {add = true}
        %dma_wait3A_396 = arith.constant 0 : i32
        %dma_wait3A_397 = arith.constant 0 : i32
        %dma_wait3A_398 = tpu.memref_slice %arg19[%dma_wait3A_396, %dma_wait3A_397] : memref<10000x128xf32, #tpu.memory_space<vmem_shared>> -> memref<10000x128xf32, #tpu.memory_space<vmem_shared>>
        tpu.wait_indirect_dma semaphore(%run_scoped3A : memref<!tpu.dma_semaphore, #tpu.memory_space<semaphore_mem>>) src(%arg16 : memref<48x128xf32, #tpu.memory_space<vmem>>) dst(%dma_wait3A_398 : memref<10000x128xf32, #tpu.memory_space<vmem_shared>>)
        tpu.yield
      }) : () -> ()
      %scan3A_392 = arith.constant 0 : i32
      scf.yield %scan3A_392 : i32
    }
    %scan3A_24 = arith.constant 209 : i32
    %barrier3A_25 = arith.constant 0 : index
    tpu.barrier barrier_id(%barrier3A_25)
    %mul3A_26 = arith.constant 624 : i32
    %mul3A_27 = arith.muli %arg1, %mul3A_26 : i32
    %mul3A_28 = arith.constant 624 : i32
    %mul3A_29 = arith.muli %arg1, %mul3A_28 : i32
    "tpu.region"() ({
      %run_scoped3A = tpu.sem_alloc : memref<!tpu.dma_semaphore, #tpu.memory_space<semaphore_mem>>
      %dma_start3A = arith.constant 0 : i32
      %dma_start3A_39 = tpu.memref_slice %arg9[%arg0, %mul3A_29, %dma_start3A] : memref<2x10000x128xf32, #tpu.memory_space<hbm>> -> memref<1x624x128xf32, #tpu.memory_space<hbm>>
      %dma_start3A_40 = tpu.memref_squeeze %dma_start3A_39 : memref<1x624x128xf32, #tpu.memory_space<hbm>> -> memref<624x128xf32, #tpu.memory_space<hbm>>
      %dma_start3A_41 = arith.constant 0 : i32
      %dma_start3A_42 = tpu.memref_slice %arg19[%mul3A_27, %dma_start3A_41] : memref<10000x128xf32, #tpu.memory_space<vmem_shared>> -> memref<624x128xf32, #tpu.memory_space<vmem_shared>>
      tpu.enqueue_dma source(%dma_start3A_42 : memref<624x128xf32, #tpu.memory_space<vmem_shared>>) target(%dma_start3A_40 : memref<624x128xf32, #tpu.memory_space<hbm>>) target_semaphore(%run_scoped3A : memref<!tpu.dma_semaphore, #tpu.memory_space<semaphore_mem>>)
      %dma_wait3A = arith.constant 0 : i32
      %dma_wait3A_43 = tpu.memref_slice %arg9[%arg0, %mul3A_29, %dma_wait3A] : memref<2x10000x128xf32, #tpu.memory_space<hbm>> -> memref<1x624x128xf32, #tpu.memory_space<hbm>>
      %dma_wait3A_44 = tpu.memref_squeeze %dma_wait3A_43 : memref<1x624x128xf32, #tpu.memory_space<hbm>> -> memref<624x128xf32, #tpu.memory_space<hbm>>
      %dma_wait3A_45 = arith.constant 0 : i32
      %dma_wait3A_46 = tpu.memref_slice %arg19[%mul3A_27, %dma_wait3A_45] : memref<10000x128xf32, #tpu.memory_space<vmem_shared>> -> memref<624x128xf32, #tpu.memory_space<vmem_shared>>
      tpu.wait_dma2 semaphore(%run_scoped3A : memref<!tpu.dma_semaphore, #tpu.memory_space<semaphore_mem>>) src(%dma_wait3A_46 : memref<624x128xf32, #tpu.memory_space<vmem_shared>>) dst(%dma_wait3A_44 : memref<624x128xf32, #tpu.memory_space<hbm>>)
      tpu.yield
    }) : () -> ()
    %mul3A_30 = arith.constant 624 : i32
    %mul3A_31 = arith.muli %arg1, %mul3A_30 : i32
    %mul3A_32 = arith.constant 624 : i32
    %mul3A_33 = arith.muli %arg1, %mul3A_32 : i32
    "tpu.region"() ({
      %run_scoped3A = tpu.sem_alloc : memref<!tpu.dma_semaphore, #tpu.memory_space<semaphore_mem>>
      %dma_start3A = arith.constant 0 : i32
      %dma_start3A_39 = tpu.memref_slice %arg10[%arg0, %mul3A_33, %dma_start3A] : memref<2x10000x16xf32, #tpu.memory_space<hbm>> -> memref<1x624x16xf32, #tpu.memory_space<hbm>>
      %dma_start3A_40 = tpu.memref_squeeze %dma_start3A_39 : memref<1x624x16xf32, #tpu.memory_space<hbm>> -> memref<624x16xf32, #tpu.memory_space<hbm>>
      %dma_start3A_41 = arith.constant 0 : i32
      %dma_start3A_42 = tpu.memref_slice %arg20[%mul3A_31, %dma_start3A_41] : memref<10000x16xf32, #tpu.memory_space<vmem_shared>> -> memref<624x16xf32, #tpu.memory_space<vmem_shared>>
      tpu.enqueue_dma source(%dma_start3A_42 : memref<624x16xf32, #tpu.memory_space<vmem_shared>>) target(%dma_start3A_40 : memref<624x16xf32, #tpu.memory_space<hbm>>) target_semaphore(%run_scoped3A : memref<!tpu.dma_semaphore, #tpu.memory_space<semaphore_mem>>)
      %dma_wait3A = arith.constant 0 : i32
      %dma_wait3A_43 = tpu.memref_slice %arg10[%arg0, %mul3A_33, %dma_wait3A] : memref<2x10000x16xf32, #tpu.memory_space<hbm>> -> memref<1x624x16xf32, #tpu.memory_space<hbm>>
      %dma_wait3A_44 = tpu.memref_squeeze %dma_wait3A_43 : memref<1x624x16xf32, #tpu.memory_space<hbm>> -> memref<624x16xf32, #tpu.memory_space<hbm>>
      %dma_wait3A_45 = arith.constant 0 : i32
      %dma_wait3A_46 = tpu.memref_slice %arg20[%mul3A_31, %dma_wait3A_45] : memref<10000x16xf32, #tpu.memory_space<vmem_shared>> -> memref<624x16xf32, #tpu.memory_space<vmem_shared>>
      tpu.wait_dma2 semaphore(%run_scoped3A : memref<!tpu.dma_semaphore, #tpu.memory_space<semaphore_mem>>) src(%dma_wait3A_46 : memref<624x16xf32, #tpu.memory_space<vmem_shared>>) dst(%dma_wait3A_44 : memref<624x16xf32, #tpu.memory_space<hbm>>)
      tpu.yield
    }) : () -> ()
    %eq3A_34 = arith.constant 15 : i32
    %eq3A_35 = arith.cmpi eq, %arg1, %eq3A_34 : i32
    %convert_element_type3A_36 = arith.extui %eq3A_35 : i1 to i32
    %cond3A_37 = arith.constant 0 : i32
    %cond3A_38 = arith.cmpi ne, %convert_element_type3A_36, %cond3A_37 : i32
    scf.if %cond3A_38 {
      "tpu.region"() ({
        %run_scoped3A = tpu.sem_alloc : memref<!tpu.dma_semaphore, #tpu.memory_space<semaphore_mem>>
        %dma_start3A = arith.constant 9984 : i32
        %dma_start3A_39 = arith.constant 0 : i32
        %dma_start3A_40 = tpu.memref_slice %arg9[%arg0, %dma_start3A, %dma_start3A_39] : memref<2x10000x128xf32, #tpu.memory_space<hbm>> -> memref<1x16x128xf32, #tpu.memory_space<hbm>>
        %dma_start3A_41 = tpu.memref_squeeze %dma_start3A_40 : memref<1x16x128xf32, #tpu.memory_space<hbm>> -> memref<16x128xf32, #tpu.memory_space<hbm>>
        %dma_start3A_42 = arith.constant 9984 : i32
        %dma_start3A_43 = arith.constant 0 : i32
        %dma_start3A_44 = tpu.memref_slice %arg19[%dma_start3A_42, %dma_start3A_43] : memref<10000x128xf32, #tpu.memory_space<vmem_shared>> -> memref<16x128xf32, #tpu.memory_space<vmem_shared>>
        tpu.enqueue_dma source(%dma_start3A_44 : memref<16x128xf32, #tpu.memory_space<vmem_shared>>) target(%dma_start3A_41 : memref<16x128xf32, #tpu.memory_space<hbm>>) target_semaphore(%run_scoped3A : memref<!tpu.dma_semaphore, #tpu.memory_space<semaphore_mem>>)
        %dma_wait3A = arith.constant 9984 : i32
        %dma_wait3A_45 = arith.constant 0 : i32
        %dma_wait3A_46 = tpu.memref_slice %arg9[%arg0, %dma_wait3A, %dma_wait3A_45] : memref<2x10000x128xf32, #tpu.memory_space<hbm>> -> memref<1x16x128xf32, #tpu.memory_space<hbm>>
        %dma_wait3A_47 = tpu.memref_squeeze %dma_wait3A_46 : memref<1x16x128xf32, #tpu.memory_space<hbm>> -> memref<16x128xf32, #tpu.memory_space<hbm>>
        %dma_wait3A_48 = arith.constant 9984 : i32
        %dma_wait3A_49 = arith.constant 0 : i32
        %dma_wait3A_50 = tpu.memref_slice %arg19[%dma_wait3A_48, %dma_wait3A_49] : memref<10000x128xf32, #tpu.memory_space<vmem_shared>> -> memref<16x128xf32, #tpu.memory_space<vmem_shared>>
        tpu.wait_dma2 semaphore(%run_scoped3A : memref<!tpu.dma_semaphore, #tpu.memory_space<semaphore_mem>>) src(%dma_wait3A_50 : memref<16x128xf32, #tpu.memory_space<vmem_shared>>) dst(%dma_wait3A_47 : memref<16x128xf32, #tpu.memory_space<hbm>>)
        tpu.yield
      }) : () -> ()
      "tpu.region"() ({
        %run_scoped3A = tpu.sem_alloc : memref<!tpu.dma_semaphore, #tpu.memory_space<semaphore_mem>>
        %dma_start3A = arith.constant 9984 : i32
        %dma_start3A_39 = arith.constant 0 : i32
        %dma_start3A_40 = tpu.memref_slice %arg10[%arg0, %dma_start3A, %dma_start3A_39] : memref<2x10000x16xf32, #tpu.memory_space<hbm>> -> memref<1x16x16xf32, #tpu.memory_space<hbm>>
        %dma_start3A_41 = tpu.memref_squeeze %dma_start3A_40 : memref<1x16x16xf32, #tpu.memory_space<hbm>> -> memref<16x16xf32, #tpu.memory_space<hbm>>
        %dma_start3A_42 = arith.constant 9984 : i32
        %dma_start3A_43 = arith.constant 0 : i32
        %dma_start3A_44 = tpu.memref_slice %arg20[%dma_start3A_42, %dma_start3A_43] : memref<10000x16xf32, #tpu.memory_space<vmem_shared>> -> memref<16x16xf32, #tpu.memory_space<vmem_shared>>
        tpu.enqueue_dma source(%dma_start3A_44 : memref<16x16xf32, #tpu.memory_space<vmem_shared>>) target(%dma_start3A_41 : memref<16x16xf32, #tpu.memory_space<hbm>>) target_semaphore(%run_scoped3A : memref<!tpu.dma_semaphore, #tpu.memory_space<semaphore_mem>>)
        %dma_wait3A = arith.constant 9984 : i32
        %dma_wait3A_45 = arith.constant 0 : i32
        %dma_wait3A_46 = tpu.memref_slice %arg10[%arg0, %dma_wait3A, %dma_wait3A_45] : memref<2x10000x16xf32, #tpu.memory_space<hbm>> -> memref<1x16x16xf32, #tpu.memory_space<hbm>>
        %dma_wait3A_47 = tpu.memref_squeeze %dma_wait3A_46 : memref<1x16x16xf32, #tpu.memory_space<hbm>> -> memref<16x16xf32, #tpu.memory_space<hbm>>
        %dma_wait3A_48 = arith.constant 9984 : i32
        %dma_wait3A_49 = arith.constant 0 : i32
        %dma_wait3A_50 = tpu.memref_slice %arg20[%dma_wait3A_48, %dma_wait3A_49] : memref<10000x16xf32, #tpu.memory_space<vmem_shared>> -> memref<16x16xf32, #tpu.memory_space<vmem_shared>>
        tpu.wait_dma2 semaphore(%run_scoped3A : memref<!tpu.dma_semaphore, #tpu.memory_space<semaphore_mem>>) src(%dma_wait3A_50 : memref<16x16xf32, #tpu.memory_space<vmem_shared>>) dst(%dma_wait3A_47 : memref<16x16xf32, #tpu.memory_space<hbm>>)
        tpu.yield
      }) : () -> ()
    } else {
    }
    return
  }
}

module attributes {stable_mosaic.version = 14 : i64} {
  func.func @_node_body(%arg0: i32, %arg1: memref<2000x128xf32, #tpu.memory_space<vmem>>, %arg2: memref<128x128xf32, #tpu.memory_space<vmem>>, %arg3: memref<128x128xf32, #tpu.memory_space<vmem>>, %arg4: memref<128x128xf32, #tpu.memory_space<vmem>>, %arg5: memref<128x17xf32, #tpu.memory_space<vmem>>, %arg6: memref<1x128xf32, #tpu.memory_space<vmem>>, %arg7: memref<1x128xf32, #tpu.memory_space<vmem>>, %arg8: memref<1x128xf32, #tpu.memory_space<vmem>>, %arg9: memref<2000x256xf32, #tpu.memory_space<vmem>>, %arg10: memref<2000x256xf32, #tpu.memory_space<vmem>>) attributes {dimension_semantics = [#tpu.dimension_semantics<arbitrary>], iteration_bounds = array<i64: 5>, scalar_prefetch = 0 : i64, scratch_operands = 0 : i64, tpu.core_type = #tpu.core_type<tc>, window_params = [{transform_indices = @transform_0, window_bounds = array<i64: 2000, 128>}, {pipeline_mode = #tpu.pipeline_mode<synchronous>, transform_indices = @transform_1, window_bounds = array<i64: 128, 128>}, {pipeline_mode = #tpu.pipeline_mode<synchronous>, transform_indices = @transform_2, window_bounds = array<i64: 128, 128>}, {pipeline_mode = #tpu.pipeline_mode<synchronous>, transform_indices = @transform_3, window_bounds = array<i64: 128, 128>}, {pipeline_mode = #tpu.pipeline_mode<synchronous>, transform_indices = @transform_4, window_bounds = array<i64: 128, 17>}, {pipeline_mode = #tpu.pipeline_mode<synchronous>, transform_indices = @transform_5, window_bounds = array<i64: 1, 128>}, {pipeline_mode = #tpu.pipeline_mode<synchronous>, transform_indices = @transform_6, window_bounds = array<i64: 1, 128>}, {pipeline_mode = #tpu.pipeline_mode<synchronous>, transform_indices = @transform_7, window_bounds = array<i64: 1, 128>}, {transform_indices = @transform_8, window_bounds = array<i64: 2000, 256>}, {transform_indices = @transform_9, window_bounds = array<i64: 2000, 256>}]} {
    %get3A = arith.constant 0 : index
    %get3A_0 = arith.constant 0 : index
    %get3A_1 = vector.load %arg1[%get3A, %get3A_0] : memref<2000x128xf32, #tpu.memory_space<vmem>>, vector<2000x128xf32>
    %get3A_2 = arith.constant 0 : index
    %get3A_3 = arith.constant 0 : index
    %get3A_4 = vector.load %arg3[%get3A_2, %get3A_3] : memref<128x128xf32, #tpu.memory_space<vmem>>, vector<128x128xf32>
    %transpose3A = tpu.transpose %get3A_4, [1, 0] : vector<128x128xf32> -> vector<128x128xf32>
    %dot_general3A = arith.constant dense<0.000000e+00> : vector<2000x128xf32>
    %dot_general3A_5 = tpu.matmul %get3A_1, %transpose3A, %dot_general3A {dimension_numbers = #tpu.dot_dimension_numbers<[1], [0], [0], [1], [0, 0, 1, 1], [], []>, transpose_lhs_hint = false} : vector<2000x128xf32>, vector<128x128xf32>, vector<2000x128xf32> -> vector<2000x128xf32>
    %get3A_6 = arith.constant 0 : index
    %get3A_7 = arith.constant 0 : index
    %get3A_8 = vector.load %arg7[%get3A_6, %get3A_7] : memref<1x128xf32, #tpu.memory_space<vmem>>, vector<1x128xf32>
    %add3A = vector.broadcast %get3A_8 : vector<1x128xf32> to vector<2000x128xf32>
    %add3A_9 = arith.addf %dot_general3A_5, %add3A : vector<2000x128xf32>
    %get3A_10 = arith.constant 0 : index
    %get3A_11 = arith.constant 0 : index
    %get3A_12 = vector.load %arg4[%get3A_10, %get3A_11] : memref<128x128xf32, #tpu.memory_space<vmem>>, vector<128x128xf32>
    %transpose3A_13 = tpu.transpose %get3A_12, [1, 0] : vector<128x128xf32> -> vector<128x128xf32>
    %dot_general3A_14 = arith.constant dense<0.000000e+00> : vector<2000x128xf32>
    %dot_general3A_15 = tpu.matmul %get3A_1, %transpose3A_13, %dot_general3A_14 {dimension_numbers = #tpu.dot_dimension_numbers<[1], [0], [0], [1], [0, 0, 1, 1], [], []>, transpose_lhs_hint = false} : vector<2000x128xf32>, vector<128x128xf32>, vector<2000x128xf32> -> vector<2000x128xf32>
    %get3A_16 = arith.constant 0 : index
    %get3A_17 = arith.constant 0 : index
    %get3A_18 = vector.load %arg8[%get3A_16, %get3A_17] : memref<1x128xf32, #tpu.memory_space<vmem>>, vector<1x128xf32>
    %add3A_19 = vector.broadcast %get3A_18 : vector<1x128xf32> to vector<2000x128xf32>
    %add3A_20 = arith.addf %dot_general3A_15, %add3A_19 : vector<2000x128xf32>
    %concatenate3A = tpu.concatenate %add3A_9, %add3A_20 in 1 : vector<2000x128xf32>, vector<2000x128xf32> -> vector<2000x256xf32>
    %swap3A = arith.constant 0 : index
    %swap3A_21 = arith.constant 0 : index
    %swap3A_22 = vector.load %arg9[%swap3A, %swap3A_21] : memref<2000x256xf32, #tpu.memory_space<vmem>>, vector<2000x256xf32>
    tpu.vector_store %arg9[%swap3A, %swap3A_21], %concatenate3A {strides = array<i32>} : memref<2000x256xf32, #tpu.memory_space<vmem>>, vector<2000x256xf32>,
    %get3A_23 = arith.constant 0 : index
    %get3A_24 = arith.constant 0 : index
    %get3A_25 = vector.load %arg2[%get3A_23, %get3A_24] : memref<128x128xf32, #tpu.memory_space<vmem>>, vector<128x128xf32>
    %transpose3A_26 = tpu.transpose %get3A_25, [1, 0] : vector<128x128xf32> -> vector<128x128xf32>
    %dot_general3A_27 = arith.constant dense<0.000000e+00> : vector<2000x128xf32>
    %dot_general3A_28 = tpu.matmul %get3A_1, %transpose3A_26, %dot_general3A_27 {dimension_numbers = #tpu.dot_dimension_numbers<[1], [0], [0], [1], [0, 0, 1, 1], [], []>, transpose_lhs_hint = false} : vector<2000x128xf32>, vector<128x128xf32>, vector<2000x128xf32> -> vector<2000x128xf32>
    %get3A_29 = arith.constant 0 : index
    %get3A_30 = arith.constant 0 : index
    %get3A_31 = vector.load %arg6[%get3A_29, %get3A_30] : memref<1x128xf32, #tpu.memory_space<vmem>>, vector<1x128xf32>
    %add3A_32 = vector.broadcast %get3A_31 : vector<1x128xf32> to vector<2000x128xf32>
    %add3A_33 = arith.addf %dot_general3A_28, %add3A_32 : vector<2000x128xf32>
    %mul3A = arith.constant 0.176776692 : f32
    %mul3A_34 = vector.broadcast %mul3A : f32 to vector<2000x128xf32>
    %mul3A_35 = arith.mulf %add3A_33, %mul3A_34 : vector<2000x128xf32>
    %get3A_36 = arith.constant 0 : index
    %get3A_37 = arith.constant 0 : index
    %get3A_38 = vector.load %arg5[%get3A_36, %get3A_37] : memref<128x17xf32, #tpu.memory_space<vmem>>, vector<128x17xf32>
    %slice3A = vector.extract_strided_slice %mul3A_35 {offsets = [0, 0], sizes = [2000, 32], strides = [1, 1]} : vector<2000x128xf32> to vector<2000x32xf32>
    %slice3A_39 = vector.extract_strided_slice %get3A_38 {offsets = [0, 0], sizes = [32, 17], strides = [1, 1]} : vector<128x17xf32> to vector<32x17xf32>
    %dot_general3A_40 = arith.constant dense<0.000000e+00> : vector<2000x17xf32>
    %dot_general3A_41 = tpu.matmul %slice3A, %slice3A_39, %dot_general3A_40 {dimension_numbers = #tpu.dot_dimension_numbers<[1], [0], [0], [1], [0, 0, 1, 1], [], []>, transpose_lhs_hint = false} : vector<2000x32xf32>, vector<32x17xf32>, vector<2000x17xf32> -> vector<2000x17xf32>
    %broadcast_in_dim3A = arith.constant 0.000000e+00 : f32
    %broadcast_in_dim3A_42 = vector.broadcast %broadcast_in_dim3A : f32 to vector<2000x15xf32>
    %slice3A_43 = vector.extract_strided_slice %mul3A_35 {offsets = [0, 32], sizes = [2000, 32], strides = [1, 1]} : vector<2000x128xf32> to vector<2000x32xf32>
    %slice3A_44 = vector.extract_strided_slice %get3A_38 {offsets = [32, 0], sizes = [32, 17], strides = [1, 1]} : vector<128x17xf32> to vector<32x17xf32>
    %dot_general3A_45 = arith.constant dense<0.000000e+00> : vector<2000x17xf32>
    %dot_general3A_46 = tpu.matmul %slice3A_43, %slice3A_44, %dot_general3A_45 {dimension_numbers = #tpu.dot_dimension_numbers<[1], [0], [0], [1], [0, 0, 1, 1], [], []>, transpose_lhs_hint = false} : vector<2000x32xf32>, vector<32x17xf32>, vector<2000x17xf32> -> vector<2000x17xf32>
    %broadcast_in_dim3A_47 = arith.constant 0.000000e+00 : f32
    %broadcast_in_dim3A_48 = vector.broadcast %broadcast_in_dim3A_47 : f32 to vector<2000x15xf32>
    %slice3A_49 = vector.extract_strided_slice %mul3A_35 {offsets = [0, 64], sizes = [2000, 32], strides = [1, 1]} : vector<2000x128xf32> to vector<2000x32xf32>
    %slice3A_50 = vector.extract_strided_slice %get3A_38 {offsets = [64, 0], sizes = [32, 17], strides = [1, 1]} : vector<128x17xf32> to vector<32x17xf32>
    %dot_general3A_51 = arith.constant dense<0.000000e+00> : vector<2000x17xf32>
    %dot_general3A_52 = tpu.matmul %slice3A_49, %slice3A_50, %dot_general3A_51 {dimension_numbers = #tpu.dot_dimension_numbers<[1], [0], [0], [1], [0, 0, 1, 1], [], []>, transpose_lhs_hint = false} : vector<2000x32xf32>, vector<32x17xf32>, vector<2000x17xf32> -> vector<2000x17xf32>
    %broadcast_in_dim3A_53 = arith.constant 0.000000e+00 : f32
    %broadcast_in_dim3A_54 = vector.broadcast %broadcast_in_dim3A_53 : f32 to vector<2000x15xf32>
    %slice3A_55 = vector.extract_strided_slice %mul3A_35 {offsets = [0, 96], sizes = [2000, 32], strides = [1, 1]} : vector<2000x128xf32> to vector<2000x32xf32>
    %slice3A_56 = vector.extract_strided_slice %get3A_38 {offsets = [96, 0], sizes = [32, 17], strides = [1, 1]} : vector<128x17xf32> to vector<32x17xf32>
    %dot_general3A_57 = arith.constant dense<0.000000e+00> : vector<2000x17xf32>
    %dot_general3A_58 = tpu.matmul %slice3A_55, %slice3A_56, %dot_general3A_57 {dimension_numbers = #tpu.dot_dimension_numbers<[1], [0], [0], [1], [0, 0, 1, 1], [], []>, transpose_lhs_hint = false} : vector<2000x32xf32>, vector<32x17xf32>, vector<2000x17xf32> -> vector<2000x17xf32>
    %broadcast_in_dim3A_59 = arith.constant 0.000000e+00 : f32
    %broadcast_in_dim3A_60 = vector.broadcast %broadcast_in_dim3A_59 : f32 to vector<2000x15xf32>
    %concatenate3A_61 = tpu.concatenate %mul3A_35, %dot_general3A_41, %broadcast_in_dim3A_42, %dot_general3A_46, %broadcast_in_dim3A_48, %dot_general3A_52, %broadcast_in_dim3A_54, %dot_general3A_58, %broadcast_in_dim3A_60 in 1 : vector<2000x128xf32>, vector<2000x17xf32>, vector<2000x15xf32>, vector<2000x17xf32>, vector<2000x15xf32>, vector<2000x17xf32>, vector<2000x15xf32>, vector<2000x17xf32>, vector<2000x15xf32> -> vector<2000x256xf32>
    %swap3A_62 = arith.constant 0 : index
    %swap3A_63 = arith.constant 0 : index
    %swap3A_64 = vector.load %arg10[%swap3A_62, %swap3A_63] : memref<2000x256xf32, #tpu.memory_space<vmem>>, vector<2000x256xf32>
    tpu.vector_store %arg10[%swap3A_62, %swap3A_63], %concatenate3A_61 {strides = array<i32>} : memref<2000x256xf32, #tpu.memory_space<vmem>>, vector<2000x256xf32>,
    return
  }
  func.func @transform_0(%arg0: i32) -> (i32, i32) {
    %c0_i32 = arith.constant 0 : i32
    %c0_i32_0 = arith.constant 0 : i32
    return %arg0, %c0_i32 : i32, i32
  }
  func.func @transform_1(%arg0: i32) -> (i32, i32) {
    %c0_i32 = arith.constant 0 : i32
    %c0_i32_0 = arith.constant 0 : i32
    %c0_i32_1 = arith.constant 0 : i32
    return %c0_i32, %c0_i32_0 : i32, i32
  }
  func.func @transform_2(%arg0: i32) -> (i32, i32) {
    %c0_i32 = arith.constant 0 : i32
    %c0_i32_0 = arith.constant 0 : i32
    %c0_i32_1 = arith.constant 0 : i32
    return %c0_i32, %c0_i32_0 : i32, i32
  }
  func.func @transform_3(%arg0: i32) -> (i32, i32) {
    %c0_i32 = arith.constant 0 : i32
    %c0_i32_0 = arith.constant 0 : i32
    %c0_i32_1 = arith.constant 0 : i32
    return %c0_i32, %c0_i32_0 : i32, i32
  }
  func.func @transform_4(%arg0: i32) -> (i32, i32) {
    %c0_i32 = arith.constant 0 : i32
    %c0_i32_0 = arith.constant 0 : i32
    %c0_i32_1 = arith.constant 0 : i32
    return %c0_i32, %c0_i32_0 : i32, i32
  }
  func.func @transform_5(%arg0: i32) -> (i32, i32) {
    %c0_i32 = arith.constant 0 : i32
    %c0_i32_0 = arith.constant 0 : i32
    %c0_i32_1 = arith.constant 0 : i32
    return %c0_i32, %c0_i32_0 : i32, i32
  }
  func.func @transform_6(%arg0: i32) -> (i32, i32) {
    %c0_i32 = arith.constant 0 : i32
    %c0_i32_0 = arith.constant 0 : i32
    %c0_i32_1 = arith.constant 0 : i32
    return %c0_i32, %c0_i32_0 : i32, i32
  }
  func.func @transform_7(%arg0: i32) -> (i32, i32) {
    %c0_i32 = arith.constant 0 : i32
    %c0_i32_0 = arith.constant 0 : i32
    %c0_i32_1 = arith.constant 0 : i32
    return %c0_i32, %c0_i32_0 : i32, i32
  }
  func.func @transform_8(%arg0: i32) -> (i32, i32) {
    %c0_i32 = arith.constant 0 : i32
    %c0_i32_0 = arith.constant 0 : i32
    return %arg0, %c0_i32 : i32, i32
  }
  func.func @transform_9(%arg0: i32) -> (i32, i32) {
    %c0_i32 = arith.constant 0 : i32
    %c0_i32_0 = arith.constant 0 : i32
    return %arg0, %c0_i32 : i32, i32
  }
}

module attributes {stable_mosaic.version = 14 : i64} {
  func.func @_final_body(%arg0: i32, %arg1: memref<2x2000x128xf32, #tpu.memory_space<vmem>>, %arg2: memref<2x2000x16xf32, #tpu.memory_space<vmem>>, %arg3: memref<2000x128xf32, #tpu.memory_space<vmem>>, %arg4: memref<2000x128xf32, #tpu.memory_space<vmem>>) attributes {dimension_semantics = [#tpu.dimension_semantics<arbitrary>], iteration_bounds = array<i64: 5>, scalar_prefetch = 0 : i64, scratch_operands = 0 : i64, tpu.core_type = #tpu.core_type<tc>, window_params = [{transform_indices = @transform_0, window_bounds = array<i64: 2, 2000, 128>}, {transform_indices = @transform_1, window_bounds = array<i64: 2, 2000, 16>}, {transform_indices = @transform_2, window_bounds = array<i64: 2000, 128>}, {transform_indices = @transform_3, window_bounds = array<i64: 2000, 128>}]} {
    %get3A = arith.constant 0 : index
    %get3A_0 = arith.constant 0 : index
    %get3A_1 = arith.constant 0 : index
    %get3A_2 = vector.load %arg1[%get3A, %get3A_0, %get3A_1] : memref<2x2000x128xf32, #tpu.memory_space<vmem>>, vector<1x2000x128xf32>
    %get3A_3 = vector.shape_cast %get3A_2 : vector<1x2000x128xf32> to vector<2000x128xf32>
    %get3A_4 = arith.constant 1 : index
    %get3A_5 = arith.constant 0 : index
    %get3A_6 = arith.constant 0 : index
    %get3A_7 = vector.load %arg1[%get3A_4, %get3A_5, %get3A_6] : memref<2x2000x128xf32, #tpu.memory_space<vmem>>, vector<1x2000x128xf32>
    %get3A_8 = vector.shape_cast %get3A_7 : vector<1x2000x128xf32> to vector<2000x128xf32>
    %add3A = arith.addf %get3A_3, %get3A_8 : vector<2000x128xf32>
    %get3A_9 = arith.constant 0 : index
    %get3A_10 = arith.constant 0 : index
    %get3A_11 = arith.constant 0 : index
    %get3A_12 = vector.load %arg2[%get3A_9, %get3A_10, %get3A_11] : memref<2x2000x16xf32, #tpu.memory_space<vmem>>, vector<1x2000x16xf32>
    %get3A_13 = vector.shape_cast %get3A_12 : vector<1x2000x16xf32> to vector<2000x16xf32>
    %slice3A = vector.extract_strided_slice %get3A_13 {offsets = [0, 0], sizes = [2000, 4], strides = [1, 1]} : vector<2000x16xf32> to vector<2000x4xf32>
    %get3A_14 = arith.constant 1 : index
    %get3A_15 = arith.constant 0 : index
    %get3A_16 = arith.constant 0 : index
    %get3A_17 = vector.load %arg2[%get3A_14, %get3A_15, %get3A_16] : memref<2x2000x16xf32, #tpu.memory_space<vmem>>, vector<1x2000x16xf32>
    %get3A_18 = vector.shape_cast %get3A_17 : vector<1x2000x16xf32> to vector<2000x16xf32>
    %slice3A_19 = vector.extract_strided_slice %get3A_18 {offsets = [0, 0], sizes = [2000, 4], strides = [1, 1]} : vector<2000x16xf32> to vector<2000x4xf32>
    %add3A_20 = arith.addf %slice3A, %slice3A_19 : vector<2000x4xf32>
    %broadcast_in_dim3A = vector.shape_cast %add3A_20 : vector<2000x4xf32> to vector<2000x4x1xf32>
    %broadcast_in_dim3A_21 = vector.shape_cast %broadcast_in_dim3A : vector<2000x4x1xf32> to vector<2000x4x1xf32>
    %broadcast_in_dim3A_22 = vector.broadcast %broadcast_in_dim3A_21 : vector<2000x4x1xf32> to vector<2000x4x32xf32>
    %reshape3A = vector.shape_cast %broadcast_in_dim3A_22 : vector<2000x4x32xf32> to vector<2000x128xf32>
    %gt3A = arith.constant 0.000000e+00 : f32
    %gt3A_23 = vector.broadcast %gt3A : f32 to vector<2000x128xf32>
    %gt3A_24 = arith.cmpf ogt, %reshape3A, %gt3A_23 : vector<2000x128xf32>
    %div3A = arith.divf %add3A, %reshape3A : vector<2000x128xf32>
    %jit3A = arith.constant 0.000000e+00 : f32
    %broadcast_in_dim3A_25 = vector.broadcast %jit3A : f32 to vector<2000x128xf32>
    %select_n3A = arith.select %gt3A_24, %div3A, %broadcast_in_dim3A_25 : vector<2000x128xi1>, vector<2000x128xf32>
    %get3A_26 = arith.constant 0 : index
    %get3A_27 = arith.constant 0 : index
    %get3A_28 = vector.load %arg3[%get3A_26, %get3A_27] : memref<2000x128xf32, #tpu.memory_space<vmem>>, vector<2000x128xf32>
    %add3A_29 = arith.addf %select_n3A, %get3A_28 : vector<2000x128xf32>
    %swap3A = arith.constant 0 : index
    %swap3A_30 = arith.constant 0 : index
    %swap3A_31 = vector.load %arg4[%swap3A, %swap3A_30] : memref<2000x128xf32, #tpu.memory_space<vmem>>, vector<2000x128xf32>
    tpu.vector_store %arg4[%swap3A, %swap3A_30], %add3A_29 {strides = array<i32>} : memref<2000x128xf32, #tpu.memory_space<vmem>>, vector<2000x128xf32>,
    return
  }
  func.func @transform_0(%arg0: i32) -> (i32, i32, i32) {
    %c0_i32 = arith.constant 0 : i32
    %c0_i32_0 = arith.constant 0 : i32
    %c0_i32_1 = arith.constant 0 : i32
    return %c0_i32, %arg0, %c0_i32_0 : i32, i32, i32
  }
  func.func @transform_1(%arg0: i32) -> (i32, i32, i32) {
    %c0_i32 = arith.constant 0 : i32
    %c0_i32_0 = arith.constant 0 : i32
    %c0_i32_1 = arith.constant 0 : i32
    return %c0_i32, %arg0, %c0_i32_0 : i32, i32, i32
  }
  func.func @transform_2(%arg0: i32) -> (i32, i32) {
    %c0_i32 = arith.constant 0 : i32
    %c0_i32_0 = arith.constant 0 : i32
    return %arg0, %c0_i32 : i32, i32
  }
  func.func @transform_3(%arg0: i32) -> (i32, i32) {
    %c0_i32 = arith.constant 0 : i32
    %c0_i32_0 = arith.constant 0 : i32
    return %arg0, %c0_i32 : i32, i32
  }
}

</mosaic_0001>

<sc_bundles>
// kernel: kernel.5.cloned.1.call-start
scs
__scs_entry_jumppad:
0x0: {  	(pc) =	sbr.rel $0x88, $3  }
0x1: {  	(tag) =	ssettag $0x0;
	lr =	simm.s32 $0x1  }
0x2: {  	[smem:$0x3F95] =	sst lr;
	_ =	strace $0xD0000000  }
0x3: {  	_ = 	snop  }
0x4: {  	_ = 	snop  }
0x5: {  	_ = 	snop  }
0x6: {  	_ = 	snop  }
0x7: {  	_ = 	snop  }
__scs_overlays_trampoline_lowered:
0x8: {  	[smem:$0x3FA4] =	sst s0  }
0x9: {  	[smem:$0x3FA5] =	sst s1  }
0xa: {  	[smem:$0x3FA6] =	sst s2  }
0xb: {  	[smem:$0x3FA7] =	sst s3  }
0xc: {  	[smem:$0x3FA8] =	sst s4  }
0xd: {  	[smem:$0x3FA9] =	sst s5  }
0xe: {  	[smem:$0x3FAA] =	sst s6  }
0xf: {  	[smem:$0x3FAB] =	sst s7  }
0x10: {  	[smem:$0x3FAC] =	sst s8  }
0x11: {  	[smem:$0x3FAD] =	sst s9;
	s0 =	simm.s32 @!p0 $0x0  }
0x12: {  	s1 =	sld [smem:$0x3F93];
	s0 =	simm.s32 @p0 $0x1  }
0x13: {  	[smem:$0x3FAE] =	sst s0;
	s0 =	simm.s32 @!p1 $0x0  }
0x14: {  	s2 =	sld [smem:$0x3F92];
	s0 =	simm.s32 @p1 $0x1  }
0x15: {  	[smem:$0x3FAF] =	sst s0;
	s0 =	simm.s32 @!p2 $0x0  }
0x16: {  	s3 =	sld [smem:$0x3FDB];
	s0 =	simm.s32 @p2 $0x1  }
0x17: {  	s4 =	simm.s32 $0x1BF5;
	[smem:$0x3FB1] =	sst s0  }
0x18: {  	s0 =	sld [smem:$0x3F94];
	_ =	swait.ge [sflag:s4], $0x0  }
0x19: {  	s7 =	sld [smem:$0x3F95]  }
0x1a: {  	s8 =	sadd.s32 $0xFFFFE003, lr  }
0x1b: {  	s9 =	sadd.s32 $0xFFFFFEF7, lr;
	s5 =	simm.s32 $0xFFFFFFFF;
	p2 =	slt.u32 s8, $0xFFFFF086  }
0x1c: {  	p1 =	slt.u32 s9, $0xF7A;
	s5 =	simm.s32 @!p2 $0x0  }
0x1d: {  	s5 =	simm.s32 @p1 $0x1;
	p0 =	seq.s32 s7, s2  }
0x1e: {  	s7 =	smul.u32 @!p0 $0xF7A, s2;
	p2 =	seq.s32 @!p0 s5, $0x0  }
0x1f: {  	s9 =	smul.u32 $0xF7A, s1;
	s8 =	simm.s32 @!p0 $0x1BF5;
	p2 =	por !p2, p0  }
0x20: {  	[sflag:s8] =	ssyncset.s32 @!p0 $0xFFFFF086;
	s6 =	sadd.s32 @!p0 s3, s7;
	s7 =	simm.s32 @!p0 $0x108  }
0x21: {  	s3 =	sadd.s32 s3, s9;
	s6 =	sadd.s32 @!p0 $0x88, s6;
	s7 =	simm.s32 @p2 $0x1082  }
0x22: {  	[simem:s7], [sflag:s8] =	dma.local @!p0 [hbm:s6], $0xF7A  }
0x23: {  	s9 =	sor.u32 $0xD0000000, s2;
	s6 =	simm.s32 $0x108;
	_ =	swait.ge @!p0 [sflag:s8], $0x0  }
0x24: {  	s3 =	sadd.s32 $0x88, s3;
	s6 =	simm.s32 @!p1 $0x1082;
	[sflag:s4] =	ssyncset.s32 $0xFFFFF086  }
0x25: {  	[simem:s6], [sflag:s4] =	dma.local [hbm:s3], $0xF7A  }
0x26: {  	[smem:$0x3F95] =	sst s1;
	(tag) =	ssettag s2;
	_ =	strace s9  }
0x27: {  	s1 =	sld [smem:$0x3FA5]  }
0x28: {  	s2 =	sld [smem:$0x3FA6]  }
0x29: {  	s4 =	sld [smem:$0x3FA8]  }
0x2a: {  	p0 =	seq.s32 s5, $0x0;
	s5 =	sld [smem:$0x3FA9]  }
0x2b: {  	s6 =	sld [smem:$0x3FAA]  }
0x2c: {  	s7 =	sld [smem:$0x3FAB]  }
0x2d: {  	s3 =	simm.s32 $0x108;
	s8 =	sld [smem:$0x3FAC]  }
0x2e: {  	s3 =	simm.s32 @!p0 $0x1082;
	s9 =	sld [smem:$0x3FAD]  }
0x2f: {  	lr =	sadd.s32 s0, s3;
	s0 =	sld [smem:$0x3FA4]  }
0x30: {  	s3 =	sld [smem:$0x3FA7]  }
0x31: {  	[smem:$0x3FB0] =	sst s10  }
0x32: {  	s10 =	sld [smem:$0x3FAE];
	_ =	sdelay $0x3  }
0x33: {  	p0 =	seq.s32 s10, $0x1;
	s10 =	sld [smem:$0x3FB0];
	_ =	sdelay $0x3  }
0x34: {  	[smem:$0x3FB0] =	sst s10  }
0x35: {  	s10 =	sld [smem:$0x3FAF];
	_ =	sdelay $0x3  }
0x36: {  	p1 =	seq.s32 s10, $0x1;
	s10 =	sld [smem:$0x3FB0];
	_ =	sdelay $0x3  }
0x37: {  	[smem:$0x3FB0] =	sst s10  }
0x38: {  	s10 =	sld [smem:$0x3FB1]  }
0x39: {  	_ = 	snop;
	(pc) =	sbr.ind lr, $3  }
0x3a: {  	_ = 	snop  }
0x3b: {  	_ = 	snop  }
0x3c: {  	p2 =	seq.s32 s10, $0x1;
	s10 =	sld [smem:$0x3FB0]  }
0x3d: {  	_ =	shalt  }
0x3e: {  	_ =	shalt  }
0x3f: {  	_ =	shalt  }
0x40: {  	_ =	shalt  }
0x41: {  	_ =	shalt  }
0x42: {  	_ =	shalt  }
0x43: {  	_ =	shalt  }
0x44: {  	_ =	shalt  }
0x45: {  	_ =	shalt  }
0x46: {  	_ =	shalt  }
0x47: {  	_ =	shalt  }
0x48: {  	_ =	shalt  }
0x49: {  	_ =	shalt  }
0x4a: {  	_ =	shalt  }
0x4b: {  	_ =	shalt  }
0x4c: {  	_ =	shalt  }
0x4d: {  	_ =	shalt  }
0x4e: {  	_ =	shalt  }
0x4f: {  	_ =	shalt  }
0x50: {  	_ =	shalt  }
0x51: {  	_ =	shalt  }
0x52: {  	_ =	shalt  }
0x53: {  	_ =	shalt  }
0x54: {  	_ =	shalt  }
0x55: {  	_ =	shalt  }
0x56: {  	_ =	shalt  }
0x57: {  	_ =	shalt  }
0x58: {  	_ =	shalt  }
0x59: {  	_ =	shalt  }
0x5a: {  	_ =	shalt  }
0x5b: {  	_ =	shalt  }
0x5c: {  	_ =	shalt  }
0x5d: {  	_ =	shalt  }
0x5e: {  	_ =	shalt  }
0x5f: {  	_ =	shalt  }
0x60: {  	_ =	shalt  }
0x61: {  	_ =	shalt  }
0x62: {  	_ =	shalt  }
0x63: {  	_ =	shalt  }
0x64: {  	_ =	shalt  }
0x65: {  	_ =	shalt  }
0x66: {  	_ =	shalt  }
0x67: {  	_ =	shalt  }
0x68: {  	_ =	shalt  }
0x69: {  	_ =	shalt  }
0x6a: {  	_ =	shalt  }
0x6b: {  	_ =	shalt  }
0x6c: {  	_ =	shalt  }
0x6d: {  	_ =	shalt  }
0x6e: {  	_ =	shalt  }
0x6f: {  	_ =	shalt  }
0x70: {  	_ =	shalt  }
0x71: {  	_ =	shalt  }
0x72: {  	_ =	shalt  }
0x73: {  	_ =	shalt  }
0x74: {  	_ =	shalt  }
0x75: {  	_ =	shalt  }
0x76: {  	_ =	shalt  }
0x77: {  	_ =	shalt  }
0x78: {  	_ =	shalt  }
0x79: {  	_ =	shalt  }
0x7a: {  	_ =	shalt  }
0x7b: {  	_ =	shalt  }
0x7c: {  	_ =	shalt  }
0x7d: {  	_ =	shalt  }
0x7e: {  	_ =	shalt  }
0x7f: {  	_ =	shalt  }
0x80: {  	_ =	shalt  }
0x81: {  	_ =	shalt  }
0x82: {  	_ =	shalt  }
0x83: {  	_ =	shalt  }
0x84: {  	_ =	shalt  }
0x85: {  	_ =	shalt  }
0x86: {  	_ =	shalt  }
0x87: {  	_ =	shalt  }
.Lfunc_end0:
.L_simem_size_0:
called_computation.1_lowered:
.L_overlay_start_0:
0x88: {  	s2 =	sld [smem:$0x3FD9]  }
0x89: {  	s3 =	sld [smem:$0x3FFE];
	_ =	sdelay $0x1  }
0x8a: {  	s1 =	srdreg.scid  }
0x8b: {  	s0 =	sand.u32 $0x1, s1  }
0x8c: {  	s17 =	sshll.u32 s0, $0xA;
	s2 =	sadd.s32 s3, s2  }
0x8d: {  	s2 =	sadd.s32 s2, s17  }
0x8e: {  	[smem:$0x3FBC] =	sst s2  }
0x8f: {  	_ = 	snop  }
0x90: {  	s2 =	sld [smem:$0x3FD0];
	(tm) =	ssettm $0x1  }
0x91: {  	s18 =	sld [smem:$0x3FFB];
	_ =	sdelay $0x3  }
0x92: {  	_ =	strace s18  }
0x93: {  	s3 =	sld [smem:$0x3FFC];
	_ =	sdelay $0x3  }
0x94: {  	_ =	strace s3  }
0x95: {  	s3 =	sld [smem:$0x3FFD];
	_ =	sdelay $0x3  }
0x96: {  	_ =	strace s3  }
0x97: {  	_ =	strace $0x8FFFFFFF  }
0x98: {  	s19 =	sld [smem:$0x3FDB];
	_ =	sdelay $0x1  }
0x99: {  	s4 =	simm.s32 $_scs_section_size  }
0x9a: {  	s5 =	simm.s32 $_size__tile_overlayer_lowered;
	s6 =	simm.s32 $_tile_overlayer_lowered  }
0x9b: {  	s22 =	simm.s32 $0x1BFF;
	s21 =	sshll.u32 s6, $0x1;
	s3 =	sadd.s32 s4, s19  }
0x9c: {  	s7 =	simm.s32 $0x0;
	s20 =	sshll.u32 s5, $0x1;
	s5 =	sadd.s32 s21, s3  }
0x9d: {  	[timem:s7], [sflag:s22] =	dma.local [hbm:s5], s20  }
0x9e: {  	_ =	swait.ge [sflag:s22], s20  }
0x9f: {  	s4 =	ssub.s32 $0x0, s20;
	[sflag:s22] =	ssyncset.done $0x0  }
0xa0: {  	[sflag:s22] =	ssyncadd.s32 s4;
	_ =	sdelay $0x1  }
0xa1: {  	s23 =	simm.s32 $0x1B8B  }
0xa2: {  	_ =	swait.ge [sflag:s23], $0x1  }
0xa3: {  	[sflag:s23] =	ssyncset.done $0x0  }
0xa4: {  	s25 =	simm.s32 $0x1B8E;
	s24 =	sld [smem:$0x3FFE];
	[sflag:s23] =	ssyncadd.s32 $0xFFFFFFFF  }
0xa5: {  	s26 =	simm.s32 $execute0_lowered;
	[smem:$0x3FD2] =	sst s25  }
0xa6: {  	s5 =	sshll.u32 s26, $0x1;
	_ =	strace $0x80000049;
	[dreg:$0x1] =	wrdreg $0xFFFFFFFF  }
0xa7: {  	s28 =	simm.s32 $_size_execute0_lowered;
	s3 =	sadd.s32 s3, s5;
	[dreg:$0x0] =	wrdreg $0x0  }
0xa8: {  	s5 =	sshll.u32 s28, $0x1;
	[dreg:$0x2] =	wrdreg s3  }
0xa9: {  	[dreg:$0x3] =	wrdreg s5  }
0xaa: {  	[dreg:$0x4] =	wrdreg $0xC0  }
0xab: {  	_ =	task [dreg:s7], $0x5FFFF  }
0xac: {  	[dreg:$0x1] =	wrdreg $0xFFFFFFFF  }
0xad: {  	[dreg:$0x0] =	wrdreg $0x60  }
0xae: {  	[dreg:$0x2] =	wrdreg s24  }
0xaf: {  	[dreg:$0x3] =	wrdreg s2  }
0xb0: {  	[dreg:$0x4] =	wrdreg $0x82200  }
0xb1: {  	[dreg:$0x5] =	wrdreg $0x1BAA00  }
0xb2: {  	[dreg:$0x6] =	wrdreg $0x9  }
0xb3: {  	_ =	task.clear_ibuf [dreg:s7], $0x7FFFF;
	_ =	strace $0x90000049  }
0xb4: {  	s29 =	simm.s32 $0x9;
	_ =	strace $0x8000004B  }
0xb5: {  	_ =	swait.ge [sflag:s29], $0x1  }
0xb6: {  	[sflag:s29] =	ssyncadd.s32 $0xFFFFFFFF  }
0xb7: {  	_ =	strace $0x9000004B  }
0xb8: {  	_ =	sfence  }
0xb9: {  	s30 =	sld [smem:$0x0];
	_ =	sdelay $0x2  }
0xba: {  	s31 =	sshll.u32 s1, $0xD;
	s1 =	sshrl.u32 s1, $0x2  }
0xbb: {  	s3 =	sand.u32 $0x4000, s31;
	s1 =	sadd.s32 s1, s30  }
0xbc: {  	s0 =	sor.u32 s3, s0;
	s1 =	sshll.u32 s1, $0x11  }
0xbd: {  	s0 =	sor.u32 s1, s0  }
0xbe: {  	s0 =	sadd.s32 $0x8F2B, s0  }
0xbf: {  	[sflag:s0] =	ssyncadd.remote.s32 $0x1  }
0xc0: {  	_ =	sfence.sel $0xFFFF  }
0xc1: {  	[dreg:$0x0] =	wrdreg $0xFFFFFFFF;
	(pc) =	sbr.abs _section_cstart, $3  }
0xc2: {  	[dreg:$0x1] =	wrdreg $0xFFFFFFFF  }
0xc3: {  	_ =	task.clear_ibuf [dreg:s7], $0x2FFFF;
	_ =	strace $0x9FFFFFFF  }
0xc4: {  	(tm) =	ssettm $0x7FFFFFFF  }
0xc5: {  	_ =	shalt  }
tec
execute0_lowered:
.L_overlay_start_1:
0x0: {  	(tag) =	ssettag $0x1  }
0x1: {  	s0 =	rddreg [dreg:$0x0]  }
0x2: {  	s10 =	rddreg [dreg:$0x1]  }
0x3: {  	s1 =	rddreg [dreg:$0x2]  }
0x4: {  	s2 =	rddreg [dreg:$0x3]  }
0x5: {  	s4 =	simm.s32 $0x0;
	s21 =	stileid.u32;
	s9 =	srdreg.scid  }
0x6: {  	s28 =	simm.s32 $0x6060;
	s29 =	simm.s32 $0x60;
	s30 =	simm.s32 $0x3060  }
0x7: {  	[smem:$0x7FF] =	sst s4;
	s5 =	sadd.s32 $0x66BA00, s0;
	s3 =	smul.u32 $0x2700, s21  }
0x8: {  	s31 =	simm.s32 $0x1;
	s6 =	sadd.s32 $0x61D800, s0;
	s8 =	sadd.s32 $0x6B9C00, s0  }
0x9: {  	v1 =	vlaneseq.u32;
	s13 =	sand.u32 $0x1, s9;
	s9 =	sadd.s32 $0x6C3A00, s0;
	s14 =	sadd.s32 $0x14B600, s0  }
0xa: {  	v0 =	vmul.u32 $0x100, v1;
	s7 =	sadd.s32 $0x3000, s0;
	s16 =	smul.u32 $0x13800, s21;
	s17 =	sadd.s32 $0x141800, s0  }
0xb: {  	v5 =	vmul.u32 $0x20, v1;
	v9 =	vmul.u32 $0x10, v1;
	v10 =	vmul.u32 $0x4, v1;
	s19 =	sshll.u32 s21, $0x1;
	s23 =	sshll.u32 s21, $0x6;
	s24 =	sadd.s32 $0x138000, s1  }
0xc: {  	p0 =	sne.s32 s21, $0xF;
	_ =	strace $0x8000004A;
	s12 =	ssub.s32 $0x2, s13;
	v2 =	vor.u32 $0x20, v0;
	v3 =	vor.u32 $0x40, v0;
	v4 =	vor.u32 $0x60, v0  }
0xd: {  	s18 =	sor.u32 s13, s19;
	s19 =	smul.u32 $0x138800, s13;
	[dreg:$0x9] =	wrdreg s24;
	v6 =	vor.u32 $0x80, v0;
	v7 =	vor.u32 $0xA0, v0;
	v8 =	vor.u32 $0xC0, v0  }
0xe: {  	s26 =	smul.u32 $0x27100, s13;
	s11 =	sshrl.u32 s3, $0x3;
	s15 =	sshrl.u32 s12, $0x1;
	v11 =	vor.u32 $0xE0, v0;
	v1 =	vor.u32 $0x11, v5;
	v20 =	vor.u32 $0x1000, v0  }
0xf: {  	s20 =	sadd.s32 s16, s1;
	s22 =	sshrl.u32 s16, $0x3;
	v21 =	vor.u32 $0x1020, v0;
	v22 =	vor.u32 $0x1040, v0;
	s11 =	sadd.s32 s11, s0;
	[tilespmem:$0x1FF20] =	vst v1;
	v1 =	vor.u32 $0x12, v5  }
0x10: {  	v23 =	vor.u32 $0x1060, v0;
	v24 =	vor.u32 $0x200, v5;
	s15 =	ssub.s32 s12, s15;
	[dreg:$0x5] =	wrdreg s20;
	s12 =	sadd.s32 s10, s22;
	[tilespmem:$0x1FF30] =	vst v1;
	v1 =	vor.u32 $0x1, v9  }
0x11: {  	v25 =	vor.u32 $0x1080, v0;
	v26 =	vor.u32 $0x10A0, v0;
	s20 =	sadd.s32 s3, s2;
	s10 =	sadd.s32 $0x27000, s10;
	s25 =	sadd.s32 s16, s19;
	[tilespmem:$0x1FF40] =	vst v1;
	v1 =	vor.u32 $0x1, v10  }
0x12: {  	v27 =	vor.u32 $0x10C0, v0;
	v28 =	vor.u32 $0x10E0, v0;
	s16 =	sshrl.u32 s19, $0x3;
	s22 =	sadd.s32 $0x27000, s2;
	[dreg:$0x6] =	wrdreg s12;
	[tilespmem:$0x1FF50] =	vst v1;
	v1 =	vor.u32 $0x2, v9  }
0x13: {  	v35 =	vor.u32 $0x102, v9;
	v36 =	vor.u32 $0x42, v10;
	s0 =	sadd.s32 $0x141600, s0;
	s24 =	sshrl.u32 s26, $0x3;
	[dreg:$0x7] =	wrdreg s20;
	[tilespmem:$0x1FF60] =	vst v1;
	v1 =	vor.u32 $0x2, v10  }
0x14: {  	v37 =	vor.u32 $0x103, v9;
	v38 =	vor.u32 $0x43, v10;
	s12 =	sor.u32 $0x1C03, s23;
	s11 =	sadd.s32 $0x13C800, s11;
	[dreg:$0xa] =	wrdreg s10;
	[tilespmem:$0x1FF70] =	vst v1;
	v1 =	vor.u32 $0x3, v9  }
0x15: {  	v39 =	vor.u32 $0x2000, v0;
	v40 =	vor.u32 $0x2020, v0;
	s10 =	sshrl.u32 s25, $0x3;
	s19 =	sadd.s32 s14, s16;
	[dreg:$0xc] =	wrdreg s22;
	[tilespmem:$0x1FF80] =	vst v1;
	v1 =	vor.u32 $0x3, v10  }
0x16: {  	v41 =	vor.u32 $0x2040, v0;
	v42 =	vor.u32 $0x2060, v0;
	[dreg:$0xd] =	wrdreg s0;
	s23 =	sadd.s32 s3, s26;
	s20 =	smul.u32 $0x2730, s18;
	[tilespmem:$0x1FF90] =	vst v1;
	v1 =	vor.u32 $0x211, v5  }
0x17: {  	v43 =	vor.u32 $0x400, v5;
	v44 =	vor.u32 $0x2080, v0;
	s3 =	sadd.s32 s17, s24;
	s24 =	smax.u32 s15, $0x1;
	[dreg:$0x8] =	wrdreg s11;
	[tilespmem:$0x1FFA0] =	vst v1;
	v1 =	vor.u32 $0x212, v5  }
0x18: {  	v45 =	vor.u32 $0x20A0, v0;
	v46 =	vor.u32 $0x20C0, v0;
	s10 =	sadd.s32 s14, s10;
	s0 =	sshrl.u32 s23, $0x3;
	s25 =	sadd.s32 $0x27000, s19;
	[tilespmem:$0x1FFB0] =	vst v1;
	v1 =	vor.u32 $0x100, v9  }
0x19: {  	v47 =	vor.u32 $0x20E0, v0;
	v48 =	vor.u32 $0x411, v5;
	s26 =	sadd.s32 $0x4E00, s3;
	s3 =	simm.s32 $0x7E60;
	[dreg:$0xb] =	wrdreg s10;
	[tilespmem:$0x1FFC0] =	vst v1;
	v1 =	vor.u32 $0x40, v10  }
0x1a: {  	v49 =	vor.u32 $0x412, v5;
	v50 =	vor.u32 $0x200, v9;
	s11 =	simm.s32 $0x6660;
	s0 =	sadd.s32 s17, s0;
	[dreg:$0xf] =	wrdreg s25;
	[tilespmem:$0x1FFD0] =	vst v1;
	v1 =	vor.u32 $0x101, v9  }
0x1b: {  	v51 =	vor.u32 $0x80, v10;
	v52 =	vor.u32 $0x201, v9;
	[dreg:$0x10] =	wrdreg s26;
	s25 =	simm.s32 $0x3;
	s26 =	simm.s32 $0x30;
	[tilespmem:$0x1FFE0] =	vst v1;
	v1 =	vor.u32 $0x41, v10  }
0x1c: {  	v53 =	vor.u32 $0x81, v10;
	v54 =	vor.u32 $0x202, v9;
	v55 =	vor.u32 $0x82, v10;
	s10 =	simm.s32 $0x8160;
	[dreg:$0xe] =	wrdreg s0;
	s0 =	simm.s32 $0x2;
	[tilespmem:$0x1FFF0] =	vst v1  }
.LBB2_1:
0x1d: {  	s13 =	rddreg [dreg:$0x5]  }
0x1e: {  	s14 =	rddreg [dreg:$0x6];
	s13 =	sshrl.u32 s13, $0x3  }
0x1f: {  	[spmem:s13], [sflag:s12] =	dma.local [hbm:s14], $0x2700  }
0x20: {  	_ =	swait.ge [sflag:s25], $0x2700  }
0x21: {  	[sflag:s25] =	ssyncset.done $0x0;
	s23 =	rddreg [dreg:$0x7]  }
0x22: {  	s15 =	rddreg [dreg:$0x8];
	[sflag:s25] =	ssyncadd.s32 $0xFFFFD900;
	s14 =	sshrl.u32 s23, $0x3  }
0x23: {  	[spmem:s14], [sflag:s12] =	dma.local [hbm:s15], $0x4E0  }
0x24: {  	_ =	swait.ge [sflag:s25], $0x4E0  }
0x25: {  	s17 =	simm.s32 @!p0 $0x3;
	[sflag:s25] =	ssyncset.done $0x0;
	s15 =	rddreg [dreg:$0x9]  }
0x26: {  	s16 =	rddreg [dreg:$0xa];
	[sflag:s25] =	ssyncadd.s32 $0xFFFFFB20;
	s15 =	sshrl.u32 @!p0 s15, $0x3  }
0x27: {  	[spmem:s15], [sflag:s12] =	dma.local @!p0 [hbm:s16], $0x100  }
0x28: {  	_ =	swait.ge @!p0 [sflag:s17], $0x100  }
0x29: {  	[sflag:s17] =	ssyncset.done @!p0 $0x0;
	s16 =	rddreg [dreg:$0xc]  }
0x2a: {  	s18 =	rddreg [dreg:$0xd];
	[sflag:s17] =	ssyncadd.s32 @!p0 $0xFFFFFF00;
	s16 =	sshrl.u32 @!p0 s16, $0x3  }
0x2b: {  	[spmem:s16], [sflag:s12] =	dma.local @!p0 [hbm:s18], $0x20  }
0x2c: {  	_ =	swait.ge @!p0 [sflag:s17], $0x20  }
0x2d: {  	[sflag:s17] =	ssyncset.done @!p0 $0x0  }
0x2e: {  	v1 =	vimm.f32 $0.0e+00;
	[sflag:s17] =	ssyncadd.s32 @!p0 $0xFFFFFFE0  }
0x2f: {  	[tilespmem:$0x7E60] =	vst v1  }
0x30: {  	[tilespmem:$0x7E70] =	vst v1  }
0x31: {  	[tilespmem:$0x7E80] =	vst v1  }
0x32: {  	[tilespmem:$0x7E90] =	vst v1  }
0x33: {  	[tilespmem:$0x7EA0] =	vst v1  }
0x34: {  	[tilespmem:$0x7EB0] =	vst v1  }
0x35: {  	[tilespmem:$0x7EC0] =	vst v1  }
0x36: {  	[tilespmem:$0x7ED0] =	vst v1  }
0x37: {  	[tilespmem:$0x7EE0] =	vst v1  }
0x38: {  	[tilespmem:$0x7EF0] =	vst v1  }
0x39: {  	[tilespmem:$0x7F00] =	vst v1  }
0x3a: {  	[tilespmem:$0x7F10] =	vst v1  }
0x3b: {  	[tilespmem:$0x7F20] =	vst v1  }
0x3c: {  	[tilespmem:$0x7F30] =	vst v1  }
0x3d: {  	[tilespmem:$0x7F40] =	vst v1  }
0x3e: {  	[tilespmem:$0x7F50] =	vst v1  }
0x3f: {  	[tilespmem:$0x7F60] =	vst v1  }
0x40: {  	[tilespmem:$0x7F70] =	vst v1  }
0x41: {  	[tilespmem:$0x7F80] =	vst v1  }
0x42: {  	[tilespmem:$0x7F90] =	vst v1  }
0x43: {  	[tilespmem:$0x7FA0] =	vst v1  }
0x44: {  	[tilespmem:$0x7FB0] =	vst v1  }
0x45: {  	[tilespmem:$0x7FC0] =	vst v1  }
0x46: {  	[tilespmem:$0x7FD0] =	vst v1  }
0x47: {  	[tilespmem:$0x7FE0] =	vst v1  }
0x48: {  	[tilespmem:$0x7FF0] =	vst v1  }
0x49: {  	[tilespmem:$0x8000] =	vst v1  }
0x4a: {  	[tilespmem:$0x8010] =	vst v1  }
0x4b: {  	[tilespmem:$0x8020] =	vst v1  }
0x4c: {  	[tilespmem:$0x8030] =	vst v1  }
0x4d: {  	[tilespmem:$0x8040] =	vst v1  }
0x4e: {  	[tilespmem:$0x8050] =	vst v1  }
0x4f: {  	[tilespmem:$0x8060] =	vst v1  }
0x50: {  	[tilespmem:$0x8070] =	vst v1  }
0x51: {  	[tilespmem:$0x8080] =	vst v1  }
0x52: {  	[tilespmem:$0x8090] =	vst v1  }
0x53: {  	[tilespmem:$0x80A0] =	vst v1  }
0x54: {  	[tilespmem:$0x80B0] =	vst v1  }
0x55: {  	[tilespmem:$0x80C0] =	vst v1  }
0x56: {  	[tilespmem:$0x80D0] =	vst v1  }
0x57: {  	[tilespmem:$0x80E0] =	vst v1  }
0x58: {  	[tilespmem:$0x80F0] =	vst v1  }
0x59: {  	[tilespmem:$0x8100] =	vst v1  }
0x5a: {  	[tilespmem:$0x8110] =	vst v1  }
0x5b: {  	[tilespmem:$0x8120] =	vst v1  }
0x5c: {  	[tilespmem:$0x8130] =	vst v1  }
0x5d: {  	[tilespmem:$0x8140] =	vst v1  }
0x5e: {  	[tilespmem:$0x8150] =	vst v1  }
0x5f: {  	s17 =	simm.s32 $0x0;
	[bflag:$0x0] =	sbarrier.arrive $0xFFFF  }
.LBB2_2:
0x60: {  	s18 =	smul.u32 $0x30, s17;
	_ =	sdelay $0x1  }
0x61: {  	s19 =	sadd.s32 s20, s18  }
0x62: {  	s21 =	sshrl.u32 s19, $0x3  }
0x63: {  	s18 =	simm.s32 $0x0;
	s22 =	sadd.s32 s8, s21  }
0x64: {  	[tilespmem:s18], [sflag:$0x3] =	stream.linear.gather [hbm4b:s22+s18], $0x30, $0x38;
	[tilespmem:$0x1E1B0] =	vst v63  }
0x65: {  	_ =	swait.ge [sflag:s25], $0x30  }
0x66: {  	[sflag:s25] =	ssyncset.done $0x0  }
0x67: {  	s21 =	sadd.s32 s9, s21;
	[sflag:s25] =	ssyncadd.s32 $0xFFFFFFD0  }
0x68: {  	[tilespmem:s26], [sflag:$0x3] =	stream.linear.gather [hbm4b:s21+s18], $0x30, $0x38;
	[tilespmem:$0x1E1B0] =	vst v63  }
0x69: {  	_ =	swait.ge [sflag:s25], $0x30  }
0x6a: {  	s19 =	sshll.u32 s19, $0x2;
	[sflag:s25] =	ssyncset.done $0x0  }
0x6b: {  	s19 =	sadd.s32 s7, s19;
	[sflag:s25] =	ssyncadd.s32 $0xFFFFFFD0  }
0x6c: {  	[tilespmem:s28], [sflag:$0x3] =	stream.linear.gather [hbm4b:s19+s18], $0x600, $0x38;
	[tilespmem:$0x1E1B0] =	vst v63  }
0x6d: {  	_ =	swait.ge [sflag:s25], $0x600  }
0x6e: {  	[sflag:s25] =	ssyncset.done $0x0  }
0x6f: {  	[sflag:s25] =	ssyncadd.s32 $0xFFFFFA00  }
0x70: {  	[tilespmem:s29], [sflag:$0x1] =	stream.indirect.gather [hbm4b:s5+s26], $0x100, s18, s26, $0xb8;
	[tilespmem:$0x1E1B0] =	vst v63  }
0x71: {  	_ = 	snop  }
0x72: {  	[tilespmem:s30], [sflag:$0x2] =	stream.indirect.gather [hbm4b:s6+s26], $0x100, s26, s26, $0xb8;
	[tilespmem:$0x1E1B0] =	vst v63  }
0x73: {  	_ =	swait.ge [sflag:s31], $0x3000  }
0x74: {  	v1 =	vor.u32 s18, v4;
	[sflag:s31] =	ssyncset.done $0x0  }
0x75: {  	[sflag:s31] =	ssyncadd.s32 $0xFFFFD000  }
0x76: {  	v12 =	vor.u32 s18, v3;
	_ =	swait.ge [sflag:s0], $0x3000  }
0x77: {  	[sflag:s0] =	ssyncset.done $0x0  }
0x78: {  	v14 =	vor.u32 s18, v2;
	[sflag:s0] =	ssyncadd.s32 $0xFFFFD000  }
0x79: {  	v60 =	vld.idx.msk [tilespmem:v1+s29+$0x0], $0xffff  }
0x7a: {  	v17 =	vor.u32 s18, v0;
	v13 =	vld.idx.msk [tilespmem:v1+s30+$0x0], $0xffff  }
0x7b: {  	s19 =	simm.s32 $0x1;
	v16 =	vld.idx.msk [tilespmem:v12+s29+$0x0], $0xffff  }
0x7c: {  	v15 =	vor.u32 s19, v3;
	v29 =	vld.idx.msk [tilespmem:v12+s30+$0x0], $0xffff  }
0x7d: {  	v1 =	vor.u32 s19, v4;
	v18 =	vld.idx.msk [tilespmem:v14+s29+$0x0], $0xffff  }
0x7e: {  	v56 =	vld.idx.msk [tilespmem:v14+s30+$0x0], $0xffff  }
0x7f: {  	v63 =	vld.idx.msk [tilespmem:v17+s29+$0x0], $0xffff  }
0x80: {  	v19 =	vor.u32 s19, v2;
	v14 =	vld.idx.msk [tilespmem:v17+s30+$0x0], $0xffff  }
0x81: {  	v12 =	vld.idx.msk [tilespmem:v15+s29+$0x0], $0xffff  }
0x82: {  	v57 =	vimm.f32 $0.0e+00;
	v17 =	vor.u32 s19, v0;
	v59 =	vld.idx.msk [tilespmem:v1+s29+$0x0], $0xffff  }
0x83: {  	v61 =	vimm.f32 $0.0e+00;
	v58 =	vimm.f32 $0.0e+00;
	s21 =	simm.s32 $0x2;
	v62 =	vld.idx.msk [tilespmem:v1+s30+$0x0], $0xffff;
	v1 =	vimm.f32 $0.0e+00  }
.LBB2_3:
0x84: {  	v30 =	vor.u32 s21, v4;
	p1 =	sne.s32 s21, $0x1F;
	v31 =	vld.idx.msk [tilespmem:v15+s30+$0x0], $0xffff  }
0x85: {  	v16 =	vmul.f32 v29, v16;
	v33 =	vmul.f32 v13, v60;
	v32 =	vld.idx.msk [tilespmem:v19+s29+$0x0], $0xffff  }
0x86: {  	v15 =	vor.u32 s21, v3;
	v18 =	vmul.f32 v56, v18;
	v29 =	vmul.f32 v14, v63;
	v56 =	vld.idx.msk [tilespmem:v19+s30+$0x0], $0xffff  }
.Ltmp0:
0x87: {  	v57 =	vadd.f32 v16, v57;
	v1 =	vadd.f32 v33, v1;
	v60 =	vmov v59;
	v63 =	vld.idx.msk [tilespmem:v17+s29+$0x0], $0xffff;
	(pc) =	sbr.rel @p1 .LBB2_3-.Ltmp0, $4  }
0x88: {  	v19 =	vor.u32 s21, v2;
	v58 =	vadd.f32 v18, v58;
	v61 =	vadd.f32 v29, v61;
	v13 =	vmovc v62;
	v14 =	vld.idx.msk [tilespmem:v17+s30+$0x0], $0xffff  }
0x89: {  	v16 =	vmov v12;
	v59 =	vld.idx.msk [tilespmem:v30+s29+$0x0], $0xffff  }
0x8a: {  	v17 =	vor.u32 s21, v0;
	v29 =	vmov v31;
	v62 =	vld.idx.msk [tilespmem:v30+s30+$0x0], $0xffff  }
0x8b: {  	s21 =	sadd.s32 $0x1, s21;
	v18 =	vmov v32;
	v12 =	vld.idx.msk [tilespmem:v15+s29+$0x0], $0xffff  }
0x8c: {  	_ =	sdelay $0x3  }
0x8d: {  	v15 =	vld.idx.msk [tilespmem:v15+s30+$0x0], $0xffff  }
0x8e: {  	v30 =	vld.idx.msk [tilespmem:v19+s29+$0x0], $0xffff  }
0x8f: {  	v32 =	vld.idx.msk [tilespmem:v17+s29+$0x0], $0xffff  }
0x90: {  	v17 =	vld.idx.msk [tilespmem:v17+s30+$0x0], $0xffff  }
0x91: {  	v19 =	vld.idx.msk [tilespmem:v19+s30+$0x0], $0xffff;
	v31 =	vor.u32 s18, v6;
	v33 =	vor.u32 s18, v7  }
0x92: {  	v34 =	vor.u32 s18, v8;
	v16 =	vmul.f32 v29, v16;
	v13 =	vmul.f32 v13, v60  }
0x93: {  	v29 =	vor.u32 s18, v5;
	v18 =	vmul.f32 v56, v18;
	v14 =	vmul.f32 v14, v63  }
0x94: {  	v60 =	vor.u32 s18, v11;
	v63 =	vadd.f32 v16, v57;
	v1 =	vadd.f32 v13, v1  }
0x95: {  	v18 =	vadd.f32 v18, v58;
	v13 =	vadd.f32 v14, v61;
	v17 =	vmul.f32 v17, v32  }
0x96: {  	v16 =	vld.idx.msk [tilespmem:v31+s30+$0x0], $0xffff;
	v31 =	vor.u32 s19, v6;
	v14 =	vmul.f32 v15, v12;
	v19 =	vmul.f32 v19, v30  }
0x97: {  	v15 =	vmul.f32 v62, v59;
	v12 =	vld.idx.msk [tilespmem:v33+s30+$0x0], $0xffff;
	v59 =	vadd.f32 v17, v13;
	v17 =	vor.u32 s19, v7  }
0x98: {  	v58 =	vld.idx.msk [tilespmem:v34+s30+$0x0], $0xffff;
	v57 =	vadd.f32 v14, v63;
	v14 =	vadd.f32 v19, v18;
	v18 =	vor.u32 s19, v8  }
0x99: {  	v56 =	vadd.f32 v15, v1;
	v1 =	vld.idx.msk [tilespmem:v29+s28+$0x0], $0xffff;
	v29 =	vor.u32 s19, v5  }
0x9a: {  	v13 =	vld.idx.msk [tilespmem:v60+s30+$0x0], $0xffff;
	v19 =	vor.u32 s19, v11  }
0x9b: {  	s18 =	simm.s32 $0x2;
	v15 =	vld.idx.msk [tilespmem:v31+s30+$0x0], $0xffff  }
.LBB2_5:
0x9c: {  	v30 =	vor.u32 s18, v6;
	v31 =	vmov v12;
	v12 =	vld.idx.msk [tilespmem:v17+s30+$0x0], $0xffff;
	p1 =	sne.s32 s18, $0x10  }
.Ltmp1:
0x9d: {  	v17 =	vor.u32 s18, v7;
	v32 =	vmov v58;
	v58 =	vld.idx.msk [tilespmem:v18+s30+$0x0], $0xffff;
	(pc) =	sbr.rel @p1 .LBB2_5-.Ltmp1, $4  }
0x9e: {  	v18 =	vor.u32 s18, v8;
	v34 =	vmul.f32 v16, v1;
	v31 =	vmul.f32 v31, v1;
	v33 =	vmovc v1;
	v1 =	vld.idx.msk [tilespmem:v29+s28+$0x0], $0xffff  }
0x9f: {  	v29 =	vor.u32 s18, v5;
	v32 =	vmul.f32 v32, v33;
	v33 =	vmul.f32 v13, v33;
	v13 =	vld.idx.msk [tilespmem:v19+s30+$0x0], $0xffff  }
0xa0: {  	v19 =	vor.u32 s18, v11;
	s18 =	sadd.s32 $0x1, s18;
	v59 =	vadd.f32 v34, v59;
	v14 =	vadd.f32 v31, v14  }
0xa1: {  	v57 =	vadd.f32 v32, v57;
	v56 =	vadd.f32 v33, v56;
	v16 =	vmov v15;
	v15 =	vld.idx.msk [tilespmem:v30+s30+$0x0], $0xffff  }
0xa2: {  	_ =	sdelay $0x3  }
0xa3: {  	v29 =	vld.idx.msk [tilespmem:v29+s28+$0x0], $0xffff;
	_ =	sdelay $0x2  }
0xa4: {  	v16 =	vmul.f32 v16, v1;
	_ =	sdelay $0x1  }
0xa5: {  	v16 =	vadd.f32 v16, v59;
	v15 =	vmul.f32 v15, v29;
	_ =	sdelay $0x1  }
0xa6: {  	v15 =	vadd.f32 v15, v16;
	v16 =	vld [tilespmem:$0x1FF20];
	_ =	sdelay $0x1  }
0xa7: {  	v17 =	vld.idx.msk [tilespmem:v17+s30+$0x0], $0xffff  }
0xa8: {  	v18 =	vld.idx.msk [tilespmem:v18+s30+$0x0], $0xffff;
	_ =	sdelay $0x1  }
0xa9: {  	v12 =	vmul.f32 v12, v1  }
0xaa: {  	v30 =	vmul.f32 v58, v1  }
0xab: {  	v12 =	vadd.f32 v12, v14;
	v14 =	vmul.f32 v17, v29  }
0xac: {  	v1 =	vmul.f32 v13, v1;
	v13 =	vadd.f32 v30, v57;
	v17 =	vmul.f32 v18, v29;
	v16 =	vld.idx.msk [tilespmem:v16+s28+$0x0], $0xffff  }
0xad: {  	v12 =	vadd.f32 v14, v12  }
0xae: {  	v13 =	vadd.f32 v17, v13;
	v14 =	vmax.f32 v15, $-6.000000000e+01  }
0xaf: {  	v12 =	vmax.f32 v12, $-6.000000000e+01;
	v14 =	vmin.f32 v14, $6.000000000e+01  }
0xb0: {  	v13 =	vmax.f32 v13, $-6.000000000e+01;
	v12 =	vmin.f32 v12, $6.000000000e+01;
	v14 =	vmul.f32 $1.442695020e+00, v14  }
0xb1: {  	v19 =	vld.idx.msk [tilespmem:v19+s30+$0x0], $0xffff;
	v13 =	vmin.f32 v13, $6.000000000e+01;
	v12 =	vmul.f32 $1.442695020e+00, v12;
	vm0 =	vgt.f32 v16, $5.000000000e-01  }
0xb2: {  	v13 =	vmul.f32 $1.442695020e+00, v13;
	v14 =	vsel vm0, $0x30C64851, v14  }
0xb3: {  	v12 =	vsel vm0, $0x30C64851, v12;
	(erf) = vpow2.f32 v14  }
0xb4: {  	(erf) = vpow2.f32 v12;
	v12 =	vsel vm0, $0x30C64851, v13  }
0xb5: {  	(erf) = vpow2.f32 v12;
	v12 =	vld [tilespmem:$0x1FF30]  }
0xb6: {  	v1 =	vadd.f32 v1, v56;
	v15 =	vmul.f32 v19, v29;
	_ =	sdelay $0x1  }
0xb7: {  	v1 =	vadd.f32 v15, v1;
	_ =	sdelay $0x1  }
0xb8: {  	v1 =	vmax.f32 v1, $-6.000000000e+01  }
0xb9: {  	v1 =	vmin.f32 v1, $6.000000000e+01  }
0xba: {  	v1 =	vmul.f32 $1.442695020e+00, v1  }
0xbb: {  	v12 =	vld.idx.msk [tilespmem:v12+s28+$0x0], $0xffff  }
0xbc: {  	v15 =	vld [tilespmem:$0x1FF40];
	v1 =	vsel vm0, $0x30C64851, v1;
	_ =	sdelay $0x2  }
0xbd: {  	(erf) = vpow2.f32 v1;
	v1 =	vpop (erf)  }
0xbe: {  	v1 =	vmul.f32 v1, v12  }
0xbf: {  	v13 =	vpop (erf)  }
0xc0: {  	v14 =	vsel vm0, $0x0, v1;
	[tilespmem:v9+s3+$0x0] =	vst.idx.msk $0xffff, v1;
	v1 =	vmul.f32 v13, v12  }
0xc1: {  	v13 =	vpop (erf);
	[tilespmem:v10+s10+$0x0] =	vst.idx.msk $0xffff, v14  }
0xc2: {  	v14 =	vsel vm0, $0x0, v1;
	[tilespmem:v15+s3+$0x0] =	vst.idx.msk $0xffff, v1;
	v1 =	vmul.f32 v13, v12;
	v13 =	vld [tilespmem:$0x1FF50]  }
0xc3: {  	v16 =	vld [tilespmem:$0x1FF60];
	_ =	sdelay $0x6  }
0xc4: {  	[tilespmem:v13+s10+$0x0] =	vst.idx.msk $0xffff, v14;
	v13 =	vpop (erf)  }
0xc5: {  	v15 =	vsel vm0, $0x0, v1;
	[tilespmem:v16+s3+$0x0] =	vst.idx.msk $0xffff, v1;
	v1 =	vmul.f32 v13, v12;
	v12 =	vld [tilespmem:$0x1FF70];
	_ =	sdelay $0x7  }
0xc6: {  	[tilespmem:v12+s10+$0x0] =	vst.idx.msk $0xffff, v15;
	v15 =	vld [tilespmem:$0x1FF80];
	_ =	sdelay $0x7  }
0xc7: {  	v13 =	vsel vm0, $0x0, v1;
	[tilespmem:v15+s3+$0x0] =	vst.idx.msk $0xffff, v1;
	v1 =	vld [tilespmem:$0x1FF90];
	_ =	sdelay $0x2  }
0xc8: {  	s19 =	simm.s32 $0x0  }
0xc9: {  	v14 =	vor.u32 s19, v23;
	_ =	sdelay $0x1  }
0xca: {  	v12 =	vor.u32 s19, v22;
	_ =	sdelay $0x1  }
0xcb: {  	v17 =	vor.u32 s19, v20;
	[tilespmem:v1+s10+$0x0] =	vst.idx.msk $0xffff, v13  }
0xcc: {  	s18 =	simm.s32 $0x1;
	v60 =	vld.idx.msk [tilespmem:v14+s29+$0x0], $0xffff  }
0xcd: {  	v30 =	vor.u32 s18, v23;
	v13 =	vld.idx.msk [tilespmem:v14+s30+$0x0], $0xffff  }
0xce: {  	v1 =	vor.u32 s19, v21;
	v16 =	vld.idx.msk [tilespmem:v12+s29+$0x0], $0xffff  }
0xcf: {  	v29 =	vld.idx.msk [tilespmem:v12+s30+$0x0], $0xffff  }
0xd0: {  	v63 =	vld.idx.msk [tilespmem:v17+s29+$0x0], $0xffff  }
0xd1: {  	v15 =	vor.u32 s18, v22;
	v14 =	vld.idx.msk [tilespmem:v17+s30+$0x0], $0xffff  }
0xd2: {  	v59 =	vld.idx.msk [tilespmem:v30+s29+$0x0], $0xffff  }
0xd3: {  	v19 =	vor.u32 s18, v21;
	v18 =	vld.idx.msk [tilespmem:v1+s29+$0x0], $0xffff  }
0xd4: {  	v56 =	vld.idx.msk [tilespmem:v1+s30+$0x0], $0xffff  }
0xd5: {  	v61 =	vimm.f32 $0.0e+00;
	v17 =	vor.u32 s18, v20;
	v62 =	vld.idx.msk [tilespmem:v30+s30+$0x0], $0xffff  }
0xd6: {  	s21 =	simm.s32 $0x2;
	v58 =	vimm.f32 $0.0e+00;
	v57 =	vimm.f32 $0.0e+00;
	v12 =	vld.idx.msk [tilespmem:v15+s29+$0x0], $0xffff;
	v1 =	vimm.f32 $0.0e+00  }
.LBB2_7:
0xd7: {  	v30 =	vor.u32 s21, v23;
	p1 =	sne.s32 s21, $0x1F;
	v31 =	vld.idx.msk [tilespmem:v15+s30+$0x0], $0xffff  }
0xd8: {  	v16 =	vmul.f32 v29, v16;
	v33 =	vmul.f32 v13, v60;
	v32 =	vld.idx.msk [tilespmem:v19+s29+$0x0], $0xffff  }
0xd9: {  	v15 =	vor.u32 s21, v22;
	v18 =	vmul.f32 v56, v18;
	v29 =	vmul.f32 v14, v63;
	v56 =	vld.idx.msk [tilespmem:v19+s30+$0x0], $0xffff  }
.Ltmp2:
0xda: {  	v57 =	vadd.f32 v16, v57;
	v1 =	vadd.f32 v33, v1;
	v60 =	vmov v59;
	v63 =	vld.idx.msk [tilespmem:v17+s29+$0x0], $0xffff;
	(pc) =	sbr.rel @p1 .LBB2_7-.Ltmp2, $4  }
0xdb: {  	v19 =	vor.u32 s21, v21;
	v58 =	vadd.f32 v18, v58;
	v61 =	vadd.f32 v29, v61;
	v13 =	vmovc v62;
	v14 =	vld.idx.msk [tilespmem:v17+s30+$0x0], $0xffff  }
0xdc: {  	v16 =	vmov v12;
	v59 =	vld.idx.msk [tilespmem:v30+s29+$0x0], $0xffff  }
0xdd: {  	v17 =	vor.u32 s21, v20;
	v29 =	vmov v31;
	v62 =	vld.idx.msk [tilespmem:v30+s30+$0x0], $0xffff  }
0xde: {  	s21 =	sadd.s32 $0x1, s21;
	v18 =	vmov v32;
	v12 =	vld.idx.msk [tilespmem:v15+s29+$0x0], $0xffff  }
0xdf: {  	_ =	sdelay $0x3  }
0xe0: {  	v15 =	vld.idx.msk [tilespmem:v15+s30+$0x0], $0xffff  }
0xe1: {  	v30 =	vld.idx.msk [tilespmem:v19+s29+$0x0], $0xffff  }
0xe2: {  	v32 =	vld.idx.msk [tilespmem:v17+s29+$0x0], $0xffff  }
0xe3: {  	v17 =	vld.idx.msk [tilespmem:v17+s30+$0x0], $0xffff  }
0xe4: {  	v19 =	vld.idx.msk [tilespmem:v19+s30+$0x0], $0xffff;
	v31 =	vor.u32 s19, v25;
	v33 =	vor.u32 s19, v26  }
0xe5: {  	v34 =	vor.u32 s19, v27;
	v16 =	vmul.f32 v29, v16;
	v13 =	vmul.f32 v13, v60  }
0xe6: {  	v29 =	vor.u32 s19, v24;
	v18 =	vmul.f32 v56, v18;
	v14 =	vmul.f32 v14, v63  }
0xe7: {  	v60 =	vor.u32 s19, v28;
	v63 =	vadd.f32 v16, v57;
	v1 =	vadd.f32 v13, v1  }
0xe8: {  	v18 =	vadd.f32 v18, v58;
	v13 =	vadd.f32 v14, v61;
	v17 =	vmul.f32 v17, v32  }
0xe9: {  	v16 =	vld.idx.msk [tilespmem:v31+s30+$0x0], $0xffff;
	v31 =	vor.u32 s18, v25;
	v14 =	vmul.f32 v15, v12;
	v19 =	vmul.f32 v19, v30  }
0xea: {  	v15 =	vmul.f32 v62, v59;
	v12 =	vld.idx.msk [tilespmem:v33+s30+$0x0], $0xffff;
	v59 =	vadd.f32 v17, v13;
	v17 =	vor.u32 s18, v26  }
0xeb: {  	v58 =	vld.idx.msk [tilespmem:v34+s30+$0x0], $0xffff;
	v57 =	vadd.f32 v14, v63;
	v14 =	vadd.f32 v19, v18;
	v18 =	vor.u32 s18, v27  }
0xec: {  	v56 =	vadd.f32 v15, v1;
	v1 =	vld.idx.msk [tilespmem:v29+s28+$0x0], $0xffff;
	v29 =	vor.u32 s18, v24  }
0xed: {  	v13 =	vld.idx.msk [tilespmem:v60+s30+$0x0], $0xffff;
	v19 =	vor.u32 s18, v28  }
0xee: {  	s18 =	simm.s32 $0x2;
	v15 =	vld.idx.msk [tilespmem:v31+s30+$0x0], $0xffff  }
.LBB2_9:
0xef: {  	v30 =	vor.u32 s18, v25;
	v31 =	vmov v12;
	v12 =	vld.idx.msk [tilespmem:v17+s30+$0x0], $0xffff;
	p1 =	sne.s32 s18, $0x10  }
.Ltmp3:
0xf0: {  	v17 =	vor.u32 s18, v26;
	v32 =	vmov v58;
	v58 =	vld.idx.msk [tilespmem:v18+s30+$0x0], $0xffff;
	(pc) =	sbr.rel @p1 .LBB2_9-.Ltmp3, $4  }
0xf1: {  	v18 =	vor.u32 s18, v27;
	v34 =	vmul.f32 v16, v1;
	v31 =	vmul.f32 v31, v1;
	v33 =	vmovc v1;
	v1 =	vld.idx.msk [tilespmem:v29+s28+$0x0], $0xffff  }
0xf2: {  	v29 =	vor.u32 s18, v24;
	v32 =	vmul.f32 v32, v33;
	v33 =	vmul.f32 v13, v33;
	v13 =	vld.idx.msk [tilespmem:v19+s30+$0x0], $0xffff  }
0xf3: {  	v19 =	vor.u32 s18, v28;
	s18 =	sadd.s32 $0x1, s18;
	v59 =	vadd.f32 v34, v59;
	v14 =	vadd.f32 v31, v14  }
0xf4: {  	v57 =	vadd.f32 v32, v57;
	v56 =	vadd.f32 v33, v56;
	v16 =	vmov v15;
	v15 =	vld.idx.msk [tilespmem:v30+s30+$0x0], $0xffff  }
0xf5: {  	_ =	sdelay $0x3  }
0xf6: {  	v29 =	vld.idx.msk [tilespmem:v29+s28+$0x0], $0xffff;
	_ =	sdelay $0x2  }
0xf7: {  	v16 =	vmul.f32 v16, v1;
	_ =	sdelay $0x1  }
0xf8: {  	v16 =	vadd.f32 v16, v59;
	v15 =	vmul.f32 v15, v29;
	_ =	sdelay $0x1  }
0xf9: {  	v15 =	vadd.f32 v15, v16;
	v16 =	vld [tilespmem:$0x1FFA0];
	_ =	sdelay $0x1  }
0xfa: {  	v17 =	vld.idx.msk [tilespmem:v17+s30+$0x0], $0xffff  }
0xfb: {  	v18 =	vld.idx.msk [tilespmem:v18+s30+$0x0], $0xffff;
	_ =	sdelay $0x1  }
0xfc: {  	v12 =	vmul.f32 v12, v1  }
0xfd: {  	v30 =	vmul.f32 v58, v1  }
0xfe: {  	v12 =	vadd.f32 v12, v14;
	v14 =	vmul.f32 v17, v29  }
0xff: {  	v1 =	vmul.f32 v13, v1;
	v13 =	vadd.f32 v30, v57;
	v17 =	vmul.f32 v18, v29;
	v16 =	vld.idx.msk [tilespmem:v16+s28+$0x0], $0xffff  }
0x100: {  	v12 =	vadd.f32 v14, v12  }
0x101: {  	v13 =	vadd.f32 v17, v13;
	v14 =	vmax.f32 v15, $-6.000000000e+01  }
0x102: {  	v12 =	vmax.f32 v12, $-6.000000000e+01;
	v14 =	vmin.f32 v14, $6.000000000e+01  }
0x103: {  	v13 =	vmax.f32 v13, $-6.000000000e+01;
	v12 =	vmin.f32 v12, $6.000000000e+01;
	v14 =	vmul.f32 $1.442695020e+00, v14  }
0x104: {  	v19 =	vld.idx.msk [tilespmem:v19+s30+$0x0], $0xffff;
	v13 =	vmin.f32 v13, $6.000000000e+01;
	v12 =	vmul.f32 $1.442695020e+00, v12;
	vm0 =	vgt.f32 v16, $5.000000000e-01  }
0x105: {  	v13 =	vmul.f32 $1.442695020e+00, v13;
	v14 =	vsel vm0, $0x30C64851, v14  }
0x106: {  	v12 =	vsel vm0, $0x30C64851, v12;
	(erf) = vpow2.f32 v14  }
0x107: {  	(erf) = vpow2.f32 v12;
	v12 =	vsel vm0, $0x30C64851, v13  }
0x108: {  	(erf) = vpow2.f32 v12;
	v12 =	vld [tilespmem:$0x1FFB0]  }
0x109: {  	v1 =	vadd.f32 v1, v56;
	v15 =	vmul.f32 v19, v29;
	_ =	sdelay $0x1  }
0x10a: {  	v1 =	vadd.f32 v15, v1;
	_ =	sdelay $0x1  }
0x10b: {  	v1 =	vmax.f32 v1, $-6.000000000e+01  }
0x10c: {  	v1 =	vmin.f32 v1, $6.000000000e+01  }
0x10d: {  	v15 =	vld [tilespmem:$0x1FFC0];
	v1 =	vmul.f32 $1.442695020e+00, v1  }
0x10e: {  	v12 =	vld.idx.msk [tilespmem:v12+s28+$0x0], $0xffff  }
0x10f: {  	v1 =	vsel vm0, $0x30C64851, v1;
	_ =	sdelay $0x2  }
0x110: {  	(erf) = vpow2.f32 v1;
	v1 =	vpop (erf)  }
0x111: {  	v1 =	vmul.f32 v1, v12;
	_ =	sdelay $0x1  }
0x112: {  	[tilespmem:v15+s3+$0x0] =	vst.idx.msk $0xffff, v1;
	v15 =	vld [tilespmem:$0x1FFD0];
	_ =	sdelay $0x6  }
0x113: {  	v14 =	vsel vm0, $0x0, v1  }
0x114: {  	[tilespmem:v15+s10+$0x0] =	vst.idx.msk $0xffff, v14;
	v15 =	vld [tilespmem:$0x1FFE0];
	_ =	sdelay $0x4  }
0x115: {  	v13 =	vpop (erf)  }
0x116: {  	v1 =	vmul.f32 v13, v12  }
0x117: {  	v13 =	vpop (erf)  }
0x118: {  	v14 =	vsel vm0, $0x0, v1;
	[tilespmem:v15+s3+$0x0] =	vst.idx.msk $0xffff, v1;
	v1 =	vmul.f32 v13, v12;
	v13 =	vld [tilespmem:$0x1FFF0];
	_ =	sdelay $0x6  }
0x119: {  	s19 =	simm.s32 $0x0  }
0x11a: {  	[tilespmem:v13+s10+$0x0] =	vst.idx.msk $0xffff, v14;
	v13 =	vpop (erf);
	v14 =	vor.u32 s19, v42  }
0x11b: {  	v15 =	vsel vm0, $0x0, v1;
	[tilespmem:v35+s3+$0x0] =	vst.idx.msk $0xffff, v1;
	v1 =	vmul.f32 v13, v12  }
0x11c: {  	v17 =	vor.u32 s19, v39;
	[tilespmem:v36+s10+$0x0] =	vst.idx.msk $0xffff, v15  }
0x11d: {  	s18 =	simm.s32 $0x1;
	v13 =	vsel vm0, $0x0, v1;
	[tilespmem:v37+s3+$0x0] =	vst.idx.msk $0xffff, v1  }
0x11e: {  	v30 =	vor.u32 s18, v42;
	[tilespmem:v38+s10+$0x0] =	vst.idx.msk $0xffff, v13  }
0x11f: {  	v12 =	vor.u32 s19, v41;
	v60 =	vld.idx.msk [tilespmem:v14+s29+$0x0], $0xffff  }
0x120: {  	v13 =	vld.idx.msk [tilespmem:v14+s30+$0x0], $0xffff  }
0x121: {  	v1 =	vor.u32 s19, v40;
	v63 =	vld.idx.msk [tilespmem:v17+s29+$0x0], $0xffff  }
0x122: {  	v14 =	vld.idx.msk [tilespmem:v17+s30+$0x0], $0xffff  }
0x123: {  	v59 =	vld.idx.msk [tilespmem:v30+s29+$0x0], $0xffff  }
0x124: {  	v15 =	vor.u32 s18, v41;
	v16 =	vld.idx.msk [tilespmem:v12+s29+$0x0], $0xffff  }
0x125: {  	v29 =	vld.idx.msk [tilespmem:v12+s30+$0x0], $0xffff  }
0x126: {  	v19 =	vor.u32 s18, v40;
	v18 =	vld.idx.msk [tilespmem:v1+s29+$0x0], $0xffff  }
0x127: {  	v56 =	vld.idx.msk [tilespmem:v1+s30+$0x0], $0xffff  }
0x128: {  	v61 =	vimm.f32 $0.0e+00;
	v17 =	vor.u32 s18, v39;
	v62 =	vld.idx.msk [tilespmem:v30+s30+$0x0], $0xffff  }
0x129: {  	s21 =	simm.s32 $0x2;
	v58 =	vimm.f32 $0.0e+00;
	v57 =	vimm.f32 $0.0e+00;
	v12 =	vld.idx.msk [tilespmem:v15+s29+$0x0], $0xffff;
	v1 =	vimm.f32 $0.0e+00  }
.LBB2_11:
0x12a: {  	v30 =	vor.u32 s21, v42;
	p1 =	sne.s32 s21, $0x1F;
	v31 =	vld.idx.msk [tilespmem:v15+s30+$0x0], $0xffff  }
0x12b: {  	v16 =	vmul.f32 v29, v16;
	v33 =	vmul.f32 v13, v60;
	v32 =	vld.idx.msk [tilespmem:v19+s29+$0x0], $0xffff  }
0x12c: {  	v15 =	vor.u32 s21, v41;
	v18 =	vmul.f32 v56, v18;
	v29 =	vmul.f32 v14, v63;
	v56 =	vld.idx.msk [tilespmem:v19+s30+$0x0], $0xffff  }
.Ltmp4:
0x12d: {  	v57 =	vadd.f32 v16, v57;
	v1 =	vadd.f32 v33, v1;
	v60 =	vmov v59;
	v63 =	vld.idx.msk [tilespmem:v17+s29+$0x0], $0xffff;
	(pc) =	sbr.rel @p1 .LBB2_11-.Ltmp4, $4  }
0x12e: {  	v19 =	vor.u32 s21, v40;
	v58 =	vadd.f32 v18, v58;
	v61 =	vadd.f32 v29, v61;
	v13 =	vmovc v62;
	v14 =	vld.idx.msk [tilespmem:v17+s30+$0x0], $0xffff  }
0x12f: {  	v16 =	vmov v12;
	v59 =	vld.idx.msk [tilespmem:v30+s29+$0x0], $0xffff  }
0x130: {  	v17 =	vor.u32 s21, v39;
	v29 =	vmov v31;
	v62 =	vld.idx.msk [tilespmem:v30+s30+$0x0], $0xffff  }
0x131: {  	s21 =	sadd.s32 $0x1, s21;
	v18 =	vmov v32;
	v12 =	vld.idx.msk [tilespmem:v15+s29+$0x0], $0xffff  }
0x132: {  	_ =	sdelay $0x3  }
0x133: {  	v30 =	vld.idx.msk [tilespmem:v19+s29+$0x0], $0xffff  }
0x134: {  	v32 =	vld.idx.msk [tilespmem:v17+s29+$0x0], $0xffff  }
0x135: {  	v17 =	vld.idx.msk [tilespmem:v17+s30+$0x0], $0xffff  }
0x136: {  	v19 =	vld.idx.msk [tilespmem:v19+s30+$0x0], $0xffff;
	v31 =	vor.u32 s19, v44;
	v33 =	vor.u32 s19, v45  }
0x137: {  	v34 =	vor.u32 s19, v46;
	v16 =	vmul.f32 v29, v16;
	v13 =	vmul.f32 v13, v60  }
0x138: {  	v15 =	vld.idx.msk [tilespmem:v15+s30+$0x0], $0xffff;
	v29 =	vor.u32 s19, v43;
	v18 =	vmul.f32 v56, v18;
	v14 =	vmul.f32 v14, v63  }
0x139: {  	v60 =	vor.u32 s19, v47;
	v63 =	vadd.f32 v16, v57;
	v13 =	vadd.f32 v13, v1  }
0x13a: {  	v14 =	vadd.f32 v14, v61;
	v59 =	vmul.f32 v62, v59;
	v17 =	vmul.f32 v17, v32  }
0x13b: {  	v18 =	vadd.f32 v18, v58;
	v16 =	vld.idx.msk [tilespmem:v31+s30+$0x0], $0xffff;
	v31 =	vor.u32 s18, v44;
	v19 =	vmul.f32 v19, v30  }
0x13c: {  	v1 =	vld.idx.msk [tilespmem:v33+s30+$0x0], $0xffff;
	v56 =	vadd.f32 v59, v13;
	v59 =	vadd.f32 v17, v14;
	v17 =	vor.u32 s18, v45  }
0x13d: {  	v15 =	vmul.f32 v15, v12;
	v12 =	vld.idx.msk [tilespmem:v34+s30+$0x0], $0xffff;
	v13 =	vadd.f32 v19, v18;
	v18 =	vor.u32 s18, v46  }
0x13e: {  	v58 =	vld.idx.msk [tilespmem:v29+s28+$0x0], $0xffff;
	v29 =	vor.u32 s18, v43  }
0x13f: {  	v14 =	vld.idx.msk [tilespmem:v60+s30+$0x0], $0xffff;
	v19 =	vor.u32 s18, v47  }
0x140: {  	v57 =	vadd.f32 v15, v63;
	s18 =	simm.s32 $0x2;
	v15 =	vld.idx.msk [tilespmem:v31+s30+$0x0], $0xffff  }
.LBB2_13:
0x141: {  	v30 =	vor.u32 s18, v44;
	v31 =	vmov v1;
	v1 =	vld.idx.msk [tilespmem:v17+s30+$0x0], $0xffff;
	p1 =	sne.s32 s18, $0x10  }
.Ltmp5:
0x142: {  	v17 =	vor.u32 s18, v45;
	v32 =	vmov v12;
	v12 =	vld.idx.msk [tilespmem:v18+s30+$0x0], $0xffff;
	(pc) =	sbr.rel @p1 .LBB2_13-.Ltmp5, $4  }
0x143: {  	v18 =	vor.u32 s18, v46;
	v34 =	vmul.f32 v16, v58;
	v31 =	vmul.f32 v31, v58;
	v33 =	vmovc v58;
	v58 =	vld.idx.msk [tilespmem:v29+s28+$0x0], $0xffff  }
0x144: {  	v29 =	vor.u32 s18, v43;
	v32 =	vmul.f32 v32, v33;
	v33 =	vmul.f32 v14, v33;
	v14 =	vld.idx.msk [tilespmem:v19+s30+$0x0], $0xffff  }
0x145: {  	v19 =	vor.u32 s18, v47;
	s18 =	sadd.s32 $0x1, s18;
	v59 =	vadd.f32 v34, v59;
	v13 =	vadd.f32 v31, v13  }
0x146: {  	v57 =	vadd.f32 v32, v57;
	v56 =	vadd.f32 v33, v56;
	v16 =	vmov v15;
	v15 =	vld.idx.msk [tilespmem:v30+s30+$0x0], $0xffff  }
0x147: {  	_ =	sdelay $0x3  }
0x148: {  	v29 =	vld.idx.msk [tilespmem:v29+s28+$0x0], $0xffff  }
0x149: {  	v17 =	vld.idx.msk [tilespmem:v17+s30+$0x0], $0xffff;
	_ =	sdelay $0x1  }
0x14a: {  	v16 =	vmul.f32 v16, v58  }
0x14b: {  	v18 =	vld.idx.msk [tilespmem:v18+s30+$0x0], $0xffff;
	v1 =	vmul.f32 v1, v58  }
0x14c: {  	v19 =	vld.idx.msk [tilespmem:v19+s30+$0x0], $0xffff;
	v16 =	vadd.f32 v16, v59;
	v15 =	vmul.f32 v15, v29  }
0x14d: {  	v12 =	vmul.f32 v12, v58;
	v1 =	vadd.f32 v1, v13;
	v60 =	vmul.f32 v17, v29  }
0x14e: {  	v61 =	vld.idx.msk [tilespmem:v48+s28+$0x0], $0xffff;
	v14 =	vmul.f32 v14, v58;
	v15 =	vadd.f32 v15, v16  }
0x14f: {  	v12 =	vadd.f32 v12, v57;
	v1 =	vadd.f32 v60, v1  }
0x150: {  	v62 =	vadd.f32 v14, v56;
	v63 =	vmul.f32 v18, v29;
	v15 =	vmax.f32 v15, $-6.000000000e+01  }
0x151: {  	v32 =	vmul.f32 v19, v29;
	v1 =	vmax.f32 v1, $-6.000000000e+01;
	v15 =	vmin.f32 v15, $6.000000000e+01  }
0x152: {  	v12 =	vadd.f32 v63, v12;
	v1 =	vmin.f32 v1, $6.000000000e+01;
	v33 =	vmul.f32 $1.442695020e+00, v15  }
0x153: {  	vm0 =	vgt.f32 v61, $5.000000000e-01;
	v1 =	vmul.f32 $1.442695020e+00, v1  }
0x154: {  	v13 =	vadd.f32 v32, v62;
	v12 =	vmax.f32 v12, $-6.000000000e+01;
	v14 =	vsel vm0, $0x30C64851, v33  }
0x155: {  	v12 =	vmin.f32 v12, $6.000000000e+01;
	v1 =	vsel vm0, $0x30C64851, v1;
	(erf) = vpow2.f32 v14  }
0x156: {  	v34 =	vmax.f32 v13, $-6.000000000e+01;
	(erf) = vpow2.f32 v1;
	v1 =	vmul.f32 $1.442695020e+00, v12  }
0x157: {  	v12 =	vmin.f32 v34, $6.000000000e+01  }
0x158: {  	v12 =	vmul.f32 $1.442695020e+00, v12;
	v1 =	vsel vm0, $0x30C64851, v1  }
0x159: {  	(erf) = vpow2.f32 v1  }
0x15a: {  	v1 =	vld.idx.msk [tilespmem:v49+s28+$0x0], $0xffff;
	v12 =	vsel vm0, $0x30C64851, v12  }
0x15b: {  	(erf) = vpow2.f32 v12;
	_ =	sdelay $0x2  }
0x15c: {  	v56 =	vpop (erf)  }
0x15d: {  	v12 =	vmul.f32 v56, v1  }
0x15e: {  	s18 =	simm.s32 $0x0;
	v57 =	vpop (erf)  }
0x15f: {  	v59 =	vmov s18;
	v13 =	vmul.f32 v57, v1;
	v58 =	vsel vm0, $0x0, v12;
	[tilespmem:v50+s3+$0x0] =	vst.idx.msk $0xffff, v12  }
0x160: {  	v62 =	vor.u32 $0x203, v9;
	v32 =	vor.u32 $0x83, v10;
	v12 =	vand.u32 $0xFFFFFFFC, v59;
	v60 =	vpop (erf);
	[tilespmem:v51+s10+$0x0] =	vst.idx.msk $0xffff, v58  }
0x161: {  	v61 =	vsel vm0, $0x0, v13;
	v12 =	vbroadcast v12, $0x0;
	[tilespmem:v52+s3+$0x0] =	vst.idx.msk $0xffff, v13;
	v63 =	vmul.f32 v60, v1  }
0x162: {  	v33 =	vpop (erf);
	[tilespmem:v53+s10+$0x0] =	vst.idx.msk $0xffff, v61  }
0x163: {  	v1 =	vmul.f32 v33, v1;
	v34 =	vsel vm0, $0x0, v63;
	[tilespmem:v54+s3+$0x0] =	vst.idx.msk $0xffff, v63  }
0x164: {  	[tilespmem:v55+s10+$0x0] =	vst.idx.msk $0xffff, v34  }
0x165: {  	v56 =	vsel vm0, $0x0, v1;
	[tilespmem:v62+s3+$0x0] =	vst.idx.msk $0xffff, v1  }
0x166: {  	[tilespmem:v32+s10+$0x0] =	vst.idx.msk $0xffff, v56  }
0x167: {  	s18 =	simm.s32 $0x150;
	v1 =	vld.idx.msk [tilespmem:v12+s10+$0x0], $0xffff  }
0x168: {  	v57 =	vld [tilespmem:s18+$0xFFFFFF90];
	_ =	sdelay $0x4  }
0x169: {  	v12 =	vmul.f32 v57, v1  }
0x16a: {  	s19 =	simm.s32 $0x66A0  }
0x16b: {  	s21 =	simm.s32 $0x1;
	[tilespmem:s19+$0xFFFFFFC0] =	vst v12  }
0x16c: {  	v58 =	vmov s21;
	v12 =	vld [tilespmem:s18+$0xFFFFFFA0]  }
0x16d: {  	v13 =	vand.u32 $0xFFFFFFFD, v58  }
0x16e: {  	v13 =	vbroadcast v13, $0x0;
	_ =	sdelay $0x2  }
0x16f: {  	v1 =	vmul.f32 v12, v1;
	_ =	sdelay $0x1  }
0x170: {  	[tilespmem:s19+$0xFFFFFFD0] =	vst v1  }
0x171: {  	v1 =	vld.idx.msk [tilespmem:v13+s10+$0x0], $0xffff  }
0x172: {  	v59 =	vld [tilespmem:s18+$0xFFFFFFB0];
	_ =	sdelay $0x4  }
0x173: {  	v12 =	vmul.f32 v59, v1;
	_ =	sdelay $0x1  }
0x174: {  	s22 =	simm.s32 $0x2;
	[tilespmem:s19+$0xFFFFFFE0] =	vst v12  }
0x175: {  	v60 =	vmov s22;
	v12 =	vld [tilespmem:s18+$0xFFFFFFC0]  }
0x176: {  	v13 =	vand.u32 $0xFFFFFFFE, v60  }
0x177: {  	v13 =	vbroadcast v13, $0x0;
	_ =	sdelay $0x2  }
0x178: {  	v1 =	vmul.f32 v12, v1;
	_ =	sdelay $0x1  }
0x179: {  	[tilespmem:s19+$0xFFFFFFF0] =	vst v1  }
0x17a: {  	v1 =	vld.idx.msk [tilespmem:v13+s10+$0x0], $0xffff  }
0x17b: {  	v61 =	vld [tilespmem:s18+$0xFFFFFFD0];
	_ =	sdelay $0x4  }
0x17c: {  	v12 =	vmul.f32 v61, v1;
	_ =	sdelay $0x1  }
0x17d: {  	[tilespmem:s19+$0x0] =	vst v12  }
0x17e: {  	v12 =	vld [tilespmem:s18+$0xFFFFFFE0];
	_ =	sdelay $0x1  }
0x17f: {  	s23 =	simm.s32 $0x3  }
0x180: {  	v62 =	vmov s23;
	_ =	sdelay $0x1  }
0x181: {  	v1 =	vmul.f32 v12, v1;
	_ =	sdelay $0x1  }
0x182: {  	[tilespmem:s19+$0x10] =	vst v1  }
0x183: {  	v1 =	vld.idx.msk [tilespmem:v62+s10+$0x0], $0xffff  }
0x184: {  	v63 =	vld [tilespmem:s18+$0xFFFFFFF0];
	_ =	sdelay $0x4  }
0x185: {  	v12 =	vmul.f32 v63, v1;
	_ =	sdelay $0x1  }
0x186: {  	s21 =	simm.s32 $0x7;
	s22 =	simm.s32 $0xB;
	s23 =	simm.s32 $0x4;
	[tilespmem:s19+$0x20] =	vst v12  }
.LBB2_15:
0x187: {  	p1 =	sne.s32 s22, $0xBF;
	v12 =	vmov s23;
	v13 =	vld [tilespmem:s18+$0x0]  }
0x188: {  	v12 =	vand.u32 $0xFFFFFFFC, v12  }
0x189: {  	v12 =	vbroadcast v12, $0x0;
	_ =	sdelay $0x2  }
0x18a: {  	v1 =	vmul.f32 v13, v1;
	_ =	sdelay $0x1  }
0x18b: {  	[tilespmem:s19+$0x30] =	vst v1  }
0x18c: {  	s18 =	sadd.s32 $0x100, s18;
	v1 =	vld.idx.msk [tilespmem:v12+s10+$0x0], $0xffff  }
0x18d: {  	v12 =	vld [tilespmem:s18+$0xFFFFFF90];
	_ =	sdelay $0x4  }
0x18e: {  	v12 =	vmul.f32 v12, v1  }
0x18f: {  	s19 =	sadd.s32 $0x80, s19  }
0x190: {  	s23 =	sadd.s32 $0xFFFFFFFE, s21;
	[tilespmem:s19+$0xFFFFFFC0] =	vst v12  }
0x191: {  	v13 =	vmov s23;
	v12 =	vld [tilespmem:s18+$0xFFFFFFA0]  }
0x192: {  	v13 =	vand.u32 $0xFFFFFFFD, v13  }
0x193: {  	v13 =	vbroadcast v13, $0x0;
	_ =	sdelay $0x2  }
0x194: {  	v1 =	vmul.f32 v12, v1;
	_ =	sdelay $0x1  }
0x195: {  	[tilespmem:s19+$0xFFFFFFD0] =	vst v1  }
0x196: {  	v1 =	vld.idx.msk [tilespmem:v13+s10+$0x0], $0xffff  }
0x197: {  	v12 =	vld [tilespmem:s18+$0xFFFFFFB0];
	_ =	sdelay $0x4  }
0x198: {  	v12 =	vmul.f32 v12, v1;
	_ =	sdelay $0x1  }
0x199: {  	s23 =	sadd.s32 $0xFFFFFFFF, s21;
	[tilespmem:s19+$0xFFFFFFE0] =	vst v12  }
0x19a: {  	v13 =	vmov s23;
	v12 =	vld [tilespmem:s18+$0xFFFFFFC0]  }
0x19b: {  	v13 =	vand.u32 $0xFFFFFFFE, v13  }
0x19c: {  	v13 =	vbroadcast v13, $0x0;
	_ =	sdelay $0x2  }
0x19d: {  	v1 =	vmul.f32 v12, v1;
	_ =	sdelay $0x1  }
0x19e: {  	[tilespmem:s19+$0xFFFFFFF0] =	vst v1  }
0x19f: {  	v1 =	vld.idx.msk [tilespmem:v13+s10+$0x0], $0xffff  }
0x1a0: {  	v12 =	vld [tilespmem:s18+$0xFFFFFFD0];
	_ =	sdelay $0x4  }
0x1a1: {  	v12 =	vmul.f32 v12, v1;
	_ =	sdelay $0x1  }
0x1a2: {  	[tilespmem:s19+$0x0] =	vst v12  }
0x1a3: {  	v12 =	vld [tilespmem:s18+$0xFFFFFFE0];
	_ =	sdelay $0x2  }
0x1a4: {  	v13 =	vmov s21;
	s21 =	smov.u32 s22;
	_ =	sdelay $0x1  }
0x1a5: {  	v1 =	vmul.f32 v12, v1;
	_ =	sdelay $0x1  }
0x1a6: {  	[tilespmem:s19+$0x10] =	vst v1  }
0x1a7: {  	v1 =	vld.idx.msk [tilespmem:v13+s10+$0x0], $0xffff  }
0x1a8: {  	v12 =	vld [tilespmem:s18+$0xFFFFFFF0];
	_ =	sdelay $0x2  }
.Ltmp6:
0x1a9: {  	(pc) =	sbr.rel @p1 .LBB2_15-.Ltmp6, $3  }
0x1aa: {  	_ = 	snop  }
0x1ab: {  	v12 =	vmul.f32 v12, v1;
	_ =	sdelay $0x1  }
0x1ac: {  	s22 =	sadd.s32 $0x4, s22;
	s23 =	sadd.s32 $0xFFFFFFFD, s21;
	[tilespmem:s19+$0x20] =	vst v12  }
0x1ad: {  	v12 =	vmov s23;
	v13 =	vld [tilespmem:s18+$0x0]  }
0x1ae: {  	v12 =	vand.u32 $0xFFFFFFFC, v12  }
0x1af: {  	v12 =	vbroadcast v12, $0x0;
	_ =	sdelay $0x2  }
0x1b0: {  	v1 =	vmul.f32 v13, v1;
	_ =	sdelay $0x1  }
0x1b1: {  	[tilespmem:s19+$0x30] =	vst v1  }
0x1b2: {  	s18 =	sadd.s32 $0x100, s18;
	v1 =	vld.idx.msk [tilespmem:v12+s10+$0x0], $0xffff  }
0x1b3: {  	v57 =	vld [tilespmem:s18+$0xFFFFFF90];
	_ =	sdelay $0x4  }
0x1b4: {  	v12 =	vmul.f32 v57, v1  }
0x1b5: {  	s19 =	sadd.s32 $0x80, s19  }
0x1b6: {  	s22 =	sadd.s32 $0xFFFFFFFE, s21;
	[tilespmem:s19+$0xFFFFFFC0] =	vst v12  }
0x1b7: {  	v58 =	vmov s22;
	v12 =	vld [tilespmem:s18+$0xFFFFFFA0]  }
0x1b8: {  	v13 =	vand.u32 $0xFFFFFFFD, v58  }
0x1b9: {  	v13 =	vbroadcast v13, $0x0;
	_ =	sdelay $0x2  }
0x1ba: {  	v1 =	vmul.f32 v12, v1;
	_ =	sdelay $0x1  }
0x1bb: {  	[tilespmem:s19+$0xFFFFFFD0] =	vst v1  }
0x1bc: {  	v1 =	vld.idx.msk [tilespmem:v13+s10+$0x0], $0xffff  }
0x1bd: {  	v59 =	vld [tilespmem:s18+$0xFFFFFFB0];
	_ =	sdelay $0x4  }
0x1be: {  	v12 =	vmul.f32 v59, v1;
	_ =	sdelay $0x1  }
0x1bf: {  	s23 =	sadd.s32 $0xFFFFFFFF, s21;
	[tilespmem:s19+$0xFFFFFFE0] =	vst v12  }
0x1c0: {  	v60 =	vmov s23;
	v12 =	vld [tilespmem:s18+$0xFFFFFFC0]  }
0x1c1: {  	v13 =	vand.u32 $0xFFFFFFFE, v60  }
0x1c2: {  	v13 =	vbroadcast v13, $0x0;
	_ =	sdelay $0x2  }
0x1c3: {  	v1 =	vmul.f32 v12, v1;
	_ =	sdelay $0x1  }
0x1c4: {  	[tilespmem:s19+$0xFFFFFFF0] =	vst v1  }
0x1c5: {  	v1 =	vld.idx.msk [tilespmem:v13+s10+$0x0], $0xffff  }
0x1c6: {  	v61 =	vld [tilespmem:s18+$0xFFFFFFD0];
	_ =	sdelay $0x4  }
0x1c7: {  	v12 =	vmul.f32 v61, v1;
	_ =	sdelay $0x1  }
0x1c8: {  	[tilespmem:s19+$0x0] =	vst v12  }
0x1c9: {  	v12 =	vld [tilespmem:s18+$0xFFFFFFE0];
	_ =	sdelay $0x2  }
0x1ca: {  	v62 =	vmov s21;
	_ =	sdelay $0x1  }
0x1cb: {  	v1 =	vmul.f32 v12, v1;
	_ =	sdelay $0x1  }
0x1cc: {  	[tilespmem:s19+$0x10] =	vst v1  }
0x1cd: {  	v1 =	vld.idx.msk [tilespmem:v62+s10+$0x0], $0xffff  }
0x1ce: {  	v63 =	vld [tilespmem:s18+$0xFFFFFFF0];
	_ =	sdelay $0x4  }
0x1cf: {  	v12 =	vmul.f32 v63, v1;
	_ =	sdelay $0x1  }
0x1d0: {  	[tilespmem:s19+$0x20] =	vst v12  }
0x1d1: {  	v12 =	vld [tilespmem:s18+$0x0];
	_ =	sdelay $0x4  }
0x1d2: {  	v1 =	vmul.f32 v12, v1;
	_ =	sdelay $0x1  }
0x1d3: {  	[tilespmem:s19+$0x30] =	vst v1  }
0x1d4: {  	[spmem:s2] =	stream.indirect.scatter.add.f32 [tilespmem:s3], [sflag:$0x3], $0x10, s26, s26, $0xb8;
	[tilespmem:$0x1E1B0] =	vst v63  }
0x1d5: {  	s17 =	sadd.s32 $0x1, s17;
	_ =	swait.ge [sflag:s25], $0x300  }
0x1d6: {  	p1 =	sne.s32 s17, $0xD1;
	[sflag:s25] =	ssyncset.done $0x0  }
.Ltmp7:
0x1d7: {  	[sflag:s25] =	ssyncadd.s32 $0xFFFFFD00;
	(pc) =	sbr.rel @p1 .LBB2_2-.Ltmp7, $4  }
0x1d8: {  	[spmem:s1] =	stream.indirect.scatter.add.f32 [tilespmem:s11], [sflag:$0x3], $0x80, s26, s26, $0xb8;
	[tilespmem:$0x1E1B0] =	vst v63  }
0x1d9: {  	_ =	swait.ge [sflag:s25], $0x1800  }
0x1da: {  	[sflag:s25] =	ssyncset.done $0x0  }
0x1db: {  	[sflag:s25] =	ssyncadd.s32 $0xFFFFE800  }
0x1dc: {  	[bflag:$0x0] =	sbarrier.arrive $0xFFFF  }
0x1dd: {  	s17 =	rddreg [dreg:$0xb]  }
0x1de: {  	[hbm:s17], [sflag:s12] =	dma.local [spmem:s13], $0x2700  }
0x1df: {  	_ =	swait.ge [sflag:s25], $0x2700  }
0x1e0: {  	[sflag:s25] =	ssyncset.done $0x0  }
0x1e1: {  	s23 =	rddreg [dreg:$0xe];
	[sflag:s25] =	ssyncadd.s32 $0xFFFFD900  }
0x1e2: {  	[hbm:s23], [sflag:s12] =	dma.local [spmem:s14], $0x4E0  }
0x1e3: {  	_ =	swait.ge [sflag:s25], $0x4E0  }
0x1e4: {  	[sflag:s25] =	ssyncset.done $0x0  }
0x1e5: {  	s13 =	rddreg [dreg:$0xf];
	[sflag:s25] =	ssyncadd.s32 $0xFFFFFB20  }
0x1e6: {  	[hbm:s13], [sflag:s12] =	dma.local @!p0 [spmem:s15], $0x100  }
0x1e7: {  	s13 =	simm.s32 @!p0 $0x3  }
0x1e8: {  	s4 =	sadd.s32 $0x1, s4;
	_ =	swait.ge @!p0 [sflag:s13], $0x100  }
0x1e9: {  	p1 =	sne.s32 s4, s24;
	[sflag:s13] =	ssyncset.done @!p0 $0x0  }
.Ltmp8:
0x1ea: {  	s14 =	rddreg [dreg:$0x10];
	[sflag:s13] =	ssyncadd.s32 @!p0 $0xFFFFFF00;
	(pc) =	sbr.rel @p1 .LBB2_1-.Ltmp8, $4  }
0x1eb: {  	[hbm:s14], [sflag:s12] =	dma.local @!p0 [spmem:s16], $0x20  }
0x1ec: {  	_ =	swait.ge @!p0 [sflag:s13], $0x20  }
0x1ed: {  	[sflag:s13] =	ssyncset.done @!p0 $0x0  }
0x1ee: {  	[sflag:s13] =	ssyncadd.s32 @!p0 $0xFFFFFFE0  }
0x1ef: {  	_ =	sfence.sel $0x180000  }
0x1f0: {  	[bflag:$0x0] =	sbarrier.arrive $0xFFFF  }
0x1f1: {  	_ =	strace $0x9000004A  }
0x1f2: {  	s0 =	stileid.u32;
	[bflag:$0x2] =	sbarrier.arrive $0xFFFF  }
0x1f3: {  	p0 =	sne.s32 s0, $0x0;
	s0 =	rddreg [dreg:$0x4]  }
0x1f4: {  	s0 =	sadd.s32 @!p0 $0x100000, s0  }
0x1f5: {  	[sflag:s0] =	ssyncadd.tile.s32 @!p0 $0x1;
	_ =	shalt  }
.Lfunc_end2:
_tile_overlayer_lowered:
.L_overlay_start_2:
0x1f6: {  	(tag) =	ssettag $0x2  }
0x1f7: {  	s0 =	rddreg [dreg:$0x0];
	s2 =	stileid.u32  }
0x1f8: {  	s1 =	rddreg [dreg:$0x1];
	p0 =	sne.s32 s2, $0x0  }
0x1f9: {  	s3 =	rddreg [dreg:$0x2];
	[bflag:$0x3] =	sbarrier.arrive $0xFFFF;
	s2 =	simm.s32 @!p0 $0x1C03  }
0x1fa: {  	[timem:s3], [sflag:s2] =	dma.local @!p0 [hbm:s0], s1  }
0x1fb: {  	s0 =	simm.s32 @!p0 $0x3  }
0x1fc: {  	_ =	swait.ge @!p0 [sflag:s0], s1  }
0x1fd: {  	s1 =	ssub.s32 @!p0 $0x0, s1;
	[sflag:s0] =	ssyncset.done @!p0 $0x0  }
0x1fe: {  	[sflag:s0] =	ssyncadd.s32 @!p0 s1  }
0x1ff: {  	[bflag:$0x3] =	sbarrier.arrive $0xFFFF  }
0x200: {  	_ =	shalt  }

// kernel: sparse-core-data-format-call.cloned.1.call-start
scs
called_computation_lowered:
.L_overlay_start_0:
0x0: {  	s1 =	sld [smem:$0x3FD9]  }
0x1: {  	s2 =	sld [smem:$0x3FFE];
	_ =	sdelay $0x1  }
0x2: {  	s3 =	srdreg.scid  }
0x3: {  	s0 =	sand.u32 $0x1, s3  }
0x4: {  	s17 =	sshll.u32 s0, $0xA;
	s1 =	sadd.s32 s2, s1  }
0x5: {  	s1 =	sadd.s32 s1, s17  }
0x6: {  	[smem:$0x3FBC] =	sst s1  }
0x7: {  	_ = 	snop  }
0x8: {  	(tm) =	ssettm $0x1  }
0x9: {  	s18 =	sld [smem:$0x3FFB];
	_ =	sdelay $0x3  }
0xa: {  	_ =	strace s18  }
0xb: {  	s1 =	sld [smem:$0x3FFC];
	_ =	sdelay $0x3  }
0xc: {  	_ =	strace s1  }
0xd: {  	s1 =	sld [smem:$0x3FFD];
	_ =	sdelay $0x3  }
0xe: {  	_ =	strace s1  }
0xf: {  	_ =	strace $0x8FFFFFFF  }
0x10: {  	s19 =	sld [smem:$0x3FDB];
	_ =	sdelay $0x1  }
0x11: {  	s20 =	simm.s32 $_scs_section_size  }
0x12: {  	s4 =	simm.s32 $_size__tile_overlayer_lowered;
	s5 =	simm.s32 $_tile_overlayer_lowered  }
0x13: {  	s23 =	simm.s32 $0x1BFF;
	s22 =	sshll.u32 s5, $0x1;
	s1 =	sadd.s32 s20, s19  }
0x14: {  	s6 =	simm.s32 $0x0;
	s21 =	sshll.u32 s4, $0x1;
	s4 =	sadd.s32 s22, s1  }
0x15: {  	[timem:s6], [sflag:s23] =	dma.local [hbm:s4], s21  }
0x16: {  	_ =	swait.ge [sflag:s23], s21  }
0x17: {  	s2 =	ssub.s32 $0x0, s21;
	[sflag:s23] =	ssyncset.done $0x0  }
0x18: {  	[sflag:s23] =	ssyncadd.s32 s2;
	_ =	sdelay $0x1  }
0x19: {  	s24 =	simm.s32 $0x1B8B  }
0x1a: {  	_ =	swait.ge [sflag:s24], $0x1  }
0x1b: {  	[sflag:s24] =	ssyncset.done $0x0  }
0x1c: {  	s26 =	simm.s32 $0x1B8E;
	s25 =	sld [smem:$0x3FFE];
	[sflag:s24] =	ssyncadd.s32 $0xFFFFFFFF  }
0x1d: {  	s27 =	simm.s32 $execute0_lowered;
	[smem:$0x3FD2] =	sst s26  }
0x1e: {  	s4 =	sshll.u32 s27, $0x1;
	_ =	strace $0x80000046;
	[dreg:$0x1] =	wrdreg $0xFFFFFFFF  }
0x1f: {  	s28 =	simm.s32 $_size_execute0_lowered;
	s1 =	sadd.s32 s1, s4;
	[dreg:$0x0] =	wrdreg $0x0  }
0x20: {  	s4 =	sshll.u32 s28, $0x1;
	[dreg:$0x2] =	wrdreg s1  }
0x21: {  	[dreg:$0x3] =	wrdreg s4  }
0x22: {  	[dreg:$0x4] =	wrdreg $0xC0  }
0x23: {  	_ =	task [dreg:s6], $0x5FFFF  }
0x24: {  	[dreg:$0x1] =	wrdreg $0xFFFFFFFF  }
0x25: {  	[dreg:$0x0] =	wrdreg $0x60  }
0x26: {  	[dreg:$0x2] =	wrdreg s25  }
0x27: {  	[dreg:$0x3] =	wrdreg $0x9  }
0x28: {  	_ =	task.clear_ibuf [dreg:s6], $0x4FFFF;
	_ =	strace $0x90000046  }
0x29: {  	s29 =	simm.s32 $0x9;
	_ =	strace $0x80000048  }
0x2a: {  	_ =	swait.ge [sflag:s29], $0x1  }
0x2b: {  	[sflag:s29] =	ssyncadd.s32 $0xFFFFFFFF  }
0x2c: {  	_ =	strace $0x90000048  }
0x2d: {  	_ =	sfence  }
0x2e: {  	s30 =	sld [smem:$0x0];
	_ =	sdelay $0x2  }
0x2f: {  	s31 =	sshll.u32 s3, $0xD;
	s3 =	sshrl.u32 s3, $0x2  }
0x30: {  	s2 =	sand.u32 $0x4000, s31;
	s1 =	sadd.s32 s3, s30  }
0x31: {  	s0 =	sor.u32 s2, s0;
	s1 =	sshll.u32 s1, $0x11  }
0x32: {  	s0 =	sor.u32 s1, s0  }
0x33: {  	s0 =	sadd.s32 $0x8F2B, s0  }
0x34: {  	[sflag:s0] =	ssyncadd.remote.s32 $0x1  }
0x35: {  	_ =	sfence.sel $0xFFFF  }
0x36: {  	[dreg:$0x0] =	wrdreg $0xFFFFFFFF;
	(pc) =	sbr.abs _section_cstart, $3  }
0x37: {  	[dreg:$0x1] =	wrdreg $0xFFFFFFFF  }
0x38: {  	_ =	task.clear_ibuf [dreg:s6], $0x2FFFF;
	_ =	strace $0x9FFFFFFF  }
0x39: {  	(tm) =	ssettm $0x7FFFFFFF  }
tec
execute0_lowered:
.L_overlay_start_1:
0x0: {  	(tag) =	ssettag $0x1  }
0x1: {  	s0 =	srdreg.scid  }
0x2: {  	s6 =	rddreg [dreg:$0x0];
	s7 =	simm.s32 $0x1;
	s1 =	sshll.u32 s0, $0x4  }
0x3: {  	s8 =	simm.s32 $0x2;
	s0 =	stileid.u32;
	s1 =	sand.u32 $0x10, s1  }
0x4: {  	s13 =	simm.s32 $0x0;
	s12 =	simm.s32 $0x0;
	s1 =	sor.u32 s0, s1  }
0x5: {  	s10 =	simm.s32 $0x0;
	s11 =	simm.s32 $0x0;
	s2 =	sshll.u32 s1, $0x9  }
0x6: {  	s3 =	sadd.s32 $0x3000, s6;
	s6 =	sadd.s32 $0x13B800, s6;
	s5 =	ssub.s32 $0x4E200, s2  }
.Ltmp0:
0x7: {  	s1 =	rddreg [dreg:$0x1];
	s4 =	sand.u32 $0x3E00, s5;
	(pc) =	sbr.rel .LBB1_1-.Ltmp0, $4  }
0x8: {  	_ =	strace $0x80000047;
	s9 =	smov.u32 s2;
	p0 =	sne.s32 s4, $0x0  }
0x9: {  	s5 =	sshrl.u32 s5, $0xE;
	s4 =	simm.s32 $0x1;
	s7 =	simm.s32 @!p0 $0x0  }
0xa: {  	[sflag:s4] =	ssyncpa.u1 $0x0;
	p0 =	por $0x0, $0x0;
	s5 =	sadd.s32 s7, s5  }
0xb: {  	[sflag:s8] =	ssyncpa.u1 $0x0;
	s8 =	simm.s32 $0x80;
	s7 =	sadd.s32 $0x1, s5  }
.LBB1_4:
0xc: {  	_ = 	snop  }
0xd: {  	[tilespmem:s18+$0x2D60 ss:$0x21] =	vst.msk $0xffff, v7  }
0xe: {  	[tilespmem:s18+$0x2F70 ss:$0x21] =	vst.msk $0xffff, v6  }
0xf: {  	[tilespmem:s18+$0x3390 ss:$0x21] =	vst.msk $0xffff, v3  }
0x10: {  	s21 =	sor.u32 s24, s23;
	v31 =	vld.idx.msk [tilespmem:v0+s16+$0xC70 ss:$0x1], $0xffff;
	[tilespmem:s18+$0x35A0 ss:$0x21] =	vst.msk $0xffff, v1  }
0x11: {  	[tilespmem:s18+$0x37B0 ss:$0x21] =	vst.msk $0xffff, v2;
	v43 =	vld.idx.msk [tilespmem:v0+s21+$0x410 ss:$0x1], $0xffff  }
0x12: {  	[tilespmem:s18+$0x39C0 ss:$0x21] =	vst.msk $0xffff, v4;
	v44 =	vld.idx.msk [tilespmem:v0+s21+$0x420 ss:$0x1], $0xffff  }
0x13: {  	[tilespmem:s18+$0x3BD0 ss:$0x21] =	vst.msk $0xffff, v5;
	s22 =	sand.u32 $0x3200, s21;
	v45 =	vld.idx.msk [tilespmem:v0+s21+$0x430 ss:$0x1], $0xffff  }
0x14: {  	s20 =	sand.u32 $0x180, s20;
	s25 =	sshra.s32 s19, $0x2;
	[tilespmem:s18+$0x3DE0 ss:$0x21] =	vst.msk $0xffff, v8;
	v46 =	vld.idx.msk [tilespmem:v0+s21+$0x440 ss:$0x1], $0xffff;
	s15 =	sadd.s32 s22, s15  }
0x15: {  	v47 =	vld.idx.msk [tilespmem:v0+s21+$0x450 ss:$0x1], $0xffff;
	s24 =	sadd.s32 s20, s15;
	s15 =	sadd.s32 s25, s17;
	[tilespmem:s18+$0x3FF0 ss:$0x21] =	vst.msk $0xffff, v31  }
0x16: {  	v48 =	vld.idx.msk [tilespmem:v0+s21+$0x460 ss:$0x1], $0xffff;
	[tilespmem:s15+$0x1290 ss:$0x21] =	vst.msk $0xffff, v43  }
0x17: {  	v49 =	vld.idx.msk [tilespmem:v0+s21+$0x470 ss:$0x1], $0xffff;
	[tilespmem:s15+$0x14A0 ss:$0x21] =	vst.msk $0xffff, v44  }
0x18: {  	v50 =	vld.idx.msk [tilespmem:v0+s21+$0x810 ss:$0x1], $0xffff;
	[tilespmem:s15+$0x16B0 ss:$0x21] =	vst.msk $0xffff, v45  }
0x19: {  	v51 =	vld.idx.msk [tilespmem:v0+s21+$0x820 ss:$0x1], $0xffff;
	[tilespmem:s15+$0x18C0 ss:$0x21] =	vst.msk $0xffff, v46  }
0x1a: {  	v52 =	vld.idx.msk [tilespmem:v0+s21+$0x830 ss:$0x1], $0xffff;
	[tilespmem:s15+$0x1AD0 ss:$0x21] =	vst.msk $0xffff, v47  }
0x1b: {  	v53 =	vld.idx.msk [tilespmem:v0+s21+$0x840 ss:$0x1], $0xffff;
	[tilespmem:s15+$0x1CE0 ss:$0x21] =	vst.msk $0xffff, v48  }
0x1c: {  	v54 =	vld.idx.msk [tilespmem:v0+s21+$0x850 ss:$0x1], $0xffff;
	[tilespmem:s15+$0x1EF0 ss:$0x21] =	vst.msk $0xffff, v49  }
0x1d: {  	v55 =	vld.idx.msk [tilespmem:v0+s21+$0x860 ss:$0x1], $0xffff;
	[tilespmem:s15+$0x2310 ss:$0x21] =	vst.msk $0xffff, v50  }
0x1e: {  	v56 =	vld.idx.msk [tilespmem:v0+s21+$0x870 ss:$0x1], $0xffff;
	[tilespmem:s15+$0x2520 ss:$0x21] =	vst.msk $0xffff, v51  }
0x1f: {  	v57 =	vld.idx.msk [tilespmem:v0+s21+$0xC10 ss:$0x1], $0xffff;
	[tilespmem:s15+$0x2730 ss:$0x21] =	vst.msk $0xffff, v52  }
0x20: {  	v58 =	vld.idx.msk [tilespmem:v0+s21+$0xC20 ss:$0x1], $0xffff;
	[tilespmem:s15+$0x2940 ss:$0x21] =	vst.msk $0xffff, v53  }
0x21: {  	v59 =	vld.idx.msk [tilespmem:v0+s21+$0xC30 ss:$0x1], $0xffff;
	[tilespmem:s15+$0x2B50 ss:$0x21] =	vst.msk $0xffff, v54  }
0x22: {  	v60 =	vld.idx.msk [tilespmem:v0+s21+$0xC40 ss:$0x1], $0xffff;
	[tilespmem:s15+$0x2D60 ss:$0x21] =	vst.msk $0xffff, v55  }
0x23: {  	v61 =	vld.idx.msk [tilespmem:v0+s21+$0xC50 ss:$0x1], $0xffff;
	[tilespmem:s15+$0x2F70 ss:$0x21] =	vst.msk $0xffff, v56  }
0x24: {  	v62 =	vld.idx.msk [tilespmem:v0+s21+$0xC60 ss:$0x1], $0xffff;
	[tilespmem:s15+$0x3390 ss:$0x21] =	vst.msk $0xffff, v57  }
0x25: {  	v63 =	vld.idx.msk [tilespmem:v0+s21+$0xC70 ss:$0x1], $0xffff;
	[tilespmem:s15+$0x35A0 ss:$0x21] =	vst.msk $0xffff, v58  }
0x26: {  	v32 =	vld [tilespmem:s24+$0xC00];
	[tilespmem:s15+$0x37B0 ss:$0x21] =	vst.msk $0xffff, v59  }
0x27: {  	v33 =	vld [tilespmem:s24+$0x0];
	[tilespmem:s15+$0x39C0 ss:$0x21] =	vst.msk $0xffff, v60  }
0x28: {  	v34 =	vld [tilespmem:s24+$0x10];
	[tilespmem:s15+$0x3BD0 ss:$0x21] =	vst.msk $0xffff, v61  }
0x29: {  	s13 =	sshll.u32 s13, $0x7;
	s26 =	sshll.u32 s12, $0x3;
	v35 =	vld [tilespmem:s24+$0x20];
	[tilespmem:s15+$0x3DE0 ss:$0x21] =	vst.msk $0xffff, v62  }
0x2a: {  	s27 =	sand.u32 $0xFFFFFC00, s13;
	s16 =	sand.u32 $0xFFFFFC00, s26;
	v36 =	vld [tilespmem:s24+$0x30];
	[tilespmem:s15+$0x3FF0 ss:$0x21] =	vst.msk $0xffff, v63  }
0x2b: {  	s13 =	sand.u32 $0x380, s13;
	s16 =	sadd.s32 s16, s27;
	v37 =	vld [tilespmem:s24+$0x40];
	[tilespmem:s15+$0x3180 ss:$0x21] =	vst.msk $0xffff, v32  }
0x2c: {  	s13 =	sor.u32 s13, s16;
	v38 =	vld [tilespmem:s24+$0x50];
	[tilespmem:s15+$0x0 ss:$0x21] =	vst.msk $0xffff, v33  }
0x2d: {  	v39 =	vld [tilespmem:s24+$0x60];
	s13 =	sshrl.u32 s13, $0x7;
	[tilespmem:s15+$0x210 ss:$0x21] =	vst.msk $0xffff, v34  }
0x2e: {  	v40 =	vld [tilespmem:s24+$0x70];
	s28 =	smulhi.u32 $0x1A36E2F, s13;
	[tilespmem:s15+$0x420 ss:$0x21] =	vst.msk $0xffff, v35  }
0x2f: {  	v41 =	vld [tilespmem:s24+$0x400];
	[tilespmem:s15+$0x630 ss:$0x21] =	vst.msk $0xffff, v36  }
0x30: {  	v42 =	vld [tilespmem:s24+$0x800];
	s16 =	sshrl.u32 s28, $0xB;
	[tilespmem:s15+$0x840 ss:$0x21] =	vst.msk $0xffff, v37  }
0x31: {  	s16 =	smul.u32 $0x4E200, s16;
	[tilespmem:s15+$0xA50 ss:$0x21] =	vst.msk $0xffff, v38  }
0x32: {  	s29 =	sshrl.u32 s12, $0x3;
	[tilespmem:s15+$0xC60 ss:$0x21] =	vst.msk $0xffff, v39  }
0x33: {  	s31 =	sand.u32 $0x7, s12;
	s30 =	sand.u32 $0xF, s29;
	[tilespmem:s15+$0xE70 ss:$0x21] =	vst.msk $0xffff, v40;
	s13 =	ssub.s32 s13, s16  }
0x34: {  	s12 =	sshll.u32 s31, $0x12;
	[tilespmem:s15+$0x1080 ss:$0x21] =	vst.msk $0xffff, v41;
	s16 =	sadd.s32 s6, s30;
	s13 =	sshll.u32 s13, $0x4  }
0x35: {  	s12 =	sor.u32 $0x20, s12;
	[tilespmem:s15+$0x2100 ss:$0x21] =	vst.msk $0xffff, v42;
	s13 =	sadd.s32 s13, s16  }
0x36: {  	[hbm4b:s13+s12] =	stream.strided.scatter [tilespmem:s14], [sflag:$0x2], $0x4000, s8, s12, $0x10;
	[tilespmem:$0x10400] =	vst v63  }
.LBB1_5:
0x37: {  	s14 =	sadd.s32 $0x4000, s9  }
0x38: {  	s12 =	sadd.s32 $0x20, s10;
	s16 =	smov.u32 s10;
	p2 =	sgt.s32 s14, $0x4E1FF  }
0x39: {  	s16 =	smov.u32 @p2 s12  }
0x3a: {  	s14 =	smov.u32 @p2 s2;
	p2 =	sgt.s32 s16, $0x1F  }
0x3b: {  	s16 =	simm.s32 @p2 $0x0;
	p2 =	sne.s32 s11, s7  }
.Ltmp1:
0x3c: {  	p1 =	slt.u32 s11, $0x2;
	(pc) =	sbr.rel @!p2 .LBB1_6-.Ltmp1, $4  }
0x3d: {  	s15 =	simm.s32 @!p1 $0x2  }
0x3e: {  	s13 =	smov.u32 s9;
	p0 =	por !p0, !p0;
	_ =	swait.ge @!p1 [sflag:s15], $0x4000  }
0x3f: {  	s12 =	smov.u32 s10;
	[sflag:s15] =	ssyncset.done @!p1 $0x0;
	s9 =	smov.u32 s14  }
0x40: {  	s11 =	sadd.s32 $0x1, s11;
	[sflag:s15] =	ssyncadd.s32 @!p1 $0xFFFFC000;
	s10 =	smov.u32 s16  }
.LBB1_1:
0x41: {  	p1 =	sge.u32 s11, s5  }
0x42: {  	s14 =	sshrl.u32 @!p1 s10, $0x3  }
0x43: {  	s15 =	sshll.u32 @!p1 s9, $0x3;
	s14 =	smul.u32 @!p1 $0x271000, s14  }
0x44: {  	s16 =	sshll.u32 @!p1 s10, $0x7;
	s15 =	sand.u32 @!p1 $0xFFFFFC00, s15  }
0x45: {  	s14 =	sadd.s32 @!p1 s14, s15;
	s15 =	sand.u32 @!p1 $0x380, s16  }
0x46: {  	s16 =	sand.u32 @!p1 $0x7F, s9;
	s14 =	sor.u32 @!p1 s15, s14  }
0x47: {  	s15 =	sor.u32 @!p1 s16, s14  }
0x48: {  	s16 =	smulhi.u32 @!p1 $0xD1B71759, s15;
	_ =	sdelay $0x1  }
0x49: {  	s14 =	smulhi.u32 @!p1 $0xD1B71759, s14;
	s16 =	sshrl.u32 @!p1 s16, $0x12  }
0x4a: {  	s16 =	smul.u32 @!p1 $0x4E200, s16  }
0x4b: {  	s31 =	sadd.s32 $0xFFFFFFFF, s11;
	s17 =	sxor.u32 @!p1 $0xFFFFFFFF, s11;
	s14 =	sshrl.u32 @!p1 s14, $0x12  }
0x4c: {  	s17 =	sshll.u32 @!p1 s17, $0xE;
	s14 =	sand.u32 @!p1 $0x1F, s14;
	s15 =	ssub.s32 @!p1 s15, s16  }
0x4d: {  	s14 =	smul.u32 @!p1 $0x9C40, s14;
	s16 =	sshrl.u32 @!p1 s15, $0x3;
	s15 =	sand.u32 @!p1 $0x7, s15  }
0x4e: {  	s17 =	sand.u32 @!p1 $0x4000, s17;
	s16 =	sadd.s32 @!p1 s3, s16;
	s15 =	sshll.u32 @!p1 s15, $0x12  }
0x4f: {  	s14 =	sadd.s32 @!p1 s14, s16;
	s15 =	sor.u32 @!p1 $0x1000, s15;
	s16 =	simm.s32 @!p1 $0x271000  }
0x50: {  	[tilespmem:s17], [sflag:$0x1] =	stream.strided.gather @!p1 [hbm4b:s14+s15], $0x4000, s16, s15, $0x38;
	[tilespmem:$0x10400] =	vst v63  }
0x51: {  	p1 =	sge.u32 s31, s5  }
.Ltmp2:
0x52: {  	_ = 	snop;
	(pc) =	sbr.rel @p1 .LBB1_5-.Ltmp2, $1  }
0x53: {  	_ =	sdelay $0x3  }
0x54: {  	s17 =	simm.s32 $0x0  }
0x55: {  	s16 =	sand.u32 $0x3000, s17;
	s18 =	sand.u32 $0x380, s17  }
0x56: {  	s14 =	sand.u32 $0x1, s11;
	s16 =	sor.u32 s18, s16  }
0x57: {  	_ =	swait.ge [sflag:s4], $0x4000;
	s15 =	sshll.u32 s14, $0xE;
	s18 =	sand.u32 $0x3200, s16  }
0x58: {  	[sflag:s4] =	ssyncset.done $0x0;
	s17 =	sand.u32 $0x180, s17;
	s18 =	sadd.s32 s18, s15  }
0x59: {  	[sflag:s4] =	ssyncadd.s32 $0xFFFFC000;
	s20 =	sadd.s32 s17, s18  }
0x5a: {  	v4 =	vld [tilespmem:s20+$0xC00]  }
0x5b: {  	s19 =	simm.s32 $0x1;
	v0 =	vmov s15;
	v5 =	vld [tilespmem:s20+$0x0]  }
0x5c: {  	s19 =	simm.s32 @!p0 $0x0;
	v6 =	vld [tilespmem:s20+$0x10]  }
0x5d: {  	s31 =	smul.u32 $0x10800, s19;
	v7 =	vld [tilespmem:s20+$0x20]  }
0x5e: {  	v8 =	vld [tilespmem:s20+$0x30]  }
0x5f: {  	s17 =	sshrl.u32 s31, $0x2;
	v9 =	vld [tilespmem:s20+$0x40]  }
0x60: {  	s17 =	sor.u32 $0x8000, s17;
	v1 =	vld.idx.msk [tilespmem:v0+s16+$0x410 ss:$0x1], $0xffff  }
0x61: {  	v2 =	vld.idx.msk [tilespmem:v0+s16+$0x420 ss:$0x1], $0xffff;
	s18 =	sadd.s32 $0x0, s17  }
0x62: {  	v3 =	vld.idx.msk [tilespmem:v0+s16+$0x430 ss:$0x1], $0xffff;
	[tilespmem:s18+$0x3180 ss:$0x21] =	vst.msk $0xffff, v4  }
0x63: {  	v10 =	vld.idx.msk [tilespmem:v0+s16+$0x820 ss:$0x1], $0xffff;
	[tilespmem:s18+$0x0 ss:$0x21] =	vst.msk $0xffff, v5  }
0x64: {  	v11 =	vld.idx.msk [tilespmem:v0+s16+$0x830 ss:$0x1], $0xffff;
	[tilespmem:s18+$0x210 ss:$0x21] =	vst.msk $0xffff, v6  }
0x65: {  	v12 =	vld.idx.msk [tilespmem:v0+s16+$0x840 ss:$0x1], $0xffff;
	[tilespmem:s18+$0x420 ss:$0x21] =	vst.msk $0xffff, v7  }
0x66: {  	v13 =	vld.idx.msk [tilespmem:v0+s16+$0x850 ss:$0x1], $0xffff;
	[tilespmem:s18+$0x630 ss:$0x21] =	vst.msk $0xffff, v8  }
0x67: {  	v4 =	vld [tilespmem:s20+$0x50];
	[tilespmem:s18+$0x840 ss:$0x21] =	vst.msk $0xffff, v9  }
0x68: {  	v5 =	vld [tilespmem:s20+$0x60];
	[tilespmem:s18+$0x1290 ss:$0x21] =	vst.msk $0xffff, v1  }
0x69: {  	v6 =	vld [tilespmem:s20+$0x70];
	[tilespmem:s18+$0x14A0 ss:$0x21] =	vst.msk $0xffff, v2  }
0x6a: {  	v7 =	vld [tilespmem:s20+$0x400];
	[tilespmem:s18+$0x16B0 ss:$0x21] =	vst.msk $0xffff, v3  }
0x6b: {  	v8 =	vld [tilespmem:s20+$0x800];
	[tilespmem:s18+$0x2520 ss:$0x21] =	vst.msk $0xffff, v10  }
0x6c: {  	v9 =	vld.idx.msk [tilespmem:v0+s16+$0x470 ss:$0x1], $0xffff;
	[tilespmem:s18+$0x2730 ss:$0x21] =	vst.msk $0xffff, v11  }
0x6d: {  	v3 =	vld.idx.msk [tilespmem:v0+s16+$0xC10 ss:$0x1], $0xffff;
	[tilespmem:s18+$0x2940 ss:$0x21] =	vst.msk $0xffff, v12  }
0x6e: {  	v1 =	vld.idx.msk [tilespmem:v0+s16+$0xC20 ss:$0x1], $0xffff;
	[tilespmem:s18+$0x2B50 ss:$0x21] =	vst.msk $0xffff, v13  }
0x6f: {  	v2 =	vld.idx.msk [tilespmem:v0+s16+$0xC30 ss:$0x1], $0xffff;
	[tilespmem:s18+$0xA50 ss:$0x21] =	vst.msk $0xffff, v4  }
0x70: {  	[tilespmem:s18+$0xE70 ss:$0x21] =	vst.msk $0xffff, v6;
	v6 =	vld.idx.msk [tilespmem:v0+s16+$0x460 ss:$0x1], $0xffff  }
0x71: {  	v4 =	vld.idx.msk [tilespmem:v0+s16+$0x440 ss:$0x1], $0xffff;
	[tilespmem:s18+$0xC60 ss:$0x21] =	vst.msk $0xffff, v5  }
0x72: {  	v5 =	vld.idx.msk [tilespmem:v0+s16+$0x450 ss:$0x1], $0xffff;
	[tilespmem:s18+$0x1080 ss:$0x21] =	vst.msk $0xffff, v7  }
0x73: {  	[tilespmem:s18+$0x2100 ss:$0x21] =	vst.msk $0xffff, v8;
	v8 =	vld.idx.msk [tilespmem:v0+s16+$0x810 ss:$0x1], $0xffff  }
0x74: {  	v7 =	vld.idx.msk [tilespmem:v0+s16+$0x860 ss:$0x1], $0xffff;
	[tilespmem:s18+$0x1EF0 ss:$0x21] =	vst.msk $0xffff, v9  }
0x75: {  	s14 =	smul.u32 $0x10800, s14;
	[tilespmem:s18+$0x1CE0 ss:$0x21] =	vst.msk $0xffff, v6;
	v6 =	vld.idx.msk [tilespmem:v0+s16+$0x870 ss:$0x1], $0xffff  }
0x76: {  	s21 =	simm.s32 $0x200;
	s22 =	simm.s32 $0x8;
	[tilespmem:s18+$0x18C0 ss:$0x21] =	vst.msk $0xffff, v4;
	v4 =	vld.idx.msk [tilespmem:v0+s16+$0xC40 ss:$0x1], $0xffff  }
0x77: {  	s23 =	sand.u32 $0x3000, s21;
	s14 =	sshrl.u32 s14, $0x2;
	s20 =	simm.s32 $0x80;
	[tilespmem:s18+$0x1AD0 ss:$0x21] =	vst.msk $0xffff, v5;
	v5 =	vld.idx.msk [tilespmem:v0+s16+$0xC50 ss:$0x1], $0xffff  }
0x78: {  	s19 =	simm.s32 $0x4;
	s14 =	sor.u32 $0x8000, s14;
	s24 =	sand.u32 $0x380, s20;
	[tilespmem:s18+$0x2310 ss:$0x21] =	vst.msk $0xffff, v8;
	v8 =	vld.idx.msk [tilespmem:v0+s16+$0xC60 ss:$0x1], $0xffff  }
.LBB1_3:
0x79: {  	p1 =	sne.s32 s22, $0x7C;
	[tilespmem:s18+$0x2D60 ss:$0x21] =	vst.msk $0xffff, v7;
	v7 =	vld.idx.msk [tilespmem:v0+s16+$0xC70 ss:$0x1], $0xffff;
	s16 =	sor.u32 s24, s23  }
0x7a: {  	s23 =	sand.u32 $0x3200, s16;
	v9 =	vld.idx.msk [tilespmem:v0+s16+$0x410 ss:$0x1], $0xffff;
	[tilespmem:s18+$0x2F70 ss:$0x21] =	vst.msk $0xffff, v6  }
0x7b: {  	s24 =	sand.u32 $0x180, s20;
	s23 =	sadd.s32 s23, s15;
	v6 =	vld.idx.msk [tilespmem:v0+s16+$0x420 ss:$0x1], $0xffff;
	[tilespmem:s18+$0x3390 ss:$0x21] =	vst.msk $0xffff, v3  }
0x7c: {  	s23 =	sadd.s32 s24, s23;
	v3 =	vld.idx.msk [tilespmem:v0+s16+$0x430 ss:$0x1], $0xffff;
	[tilespmem:s18+$0x35A0 ss:$0x21] =	vst.msk $0xffff, v1  }
0x7d: {  	v1 =	vld [tilespmem:s23+$0xC00];
	[tilespmem:s18+$0x37B0 ss:$0x21] =	vst.msk $0xffff, v2  }
0x7e: {  	v2 =	vld [tilespmem:s23+$0x0];
	[tilespmem:s18+$0x39C0 ss:$0x21] =	vst.msk $0xffff, v4  }
0x7f: {  	v4 =	vld [tilespmem:s23+$0x10];
	[tilespmem:s18+$0x3BD0 ss:$0x21] =	vst.msk $0xffff, v5  }
0x80: {  	s24 =	sshra.s32 s19, $0x2;
	s19 =	smov.u32 s22;
	v5 =	vld [tilespmem:s23+$0x20];
	[tilespmem:s18+$0x3DE0 ss:$0x21] =	vst.msk $0xffff, v8  }
0x81: {  	v8 =	vld [tilespmem:s23+$0x30];
	[tilespmem:s18+$0x3FF0 ss:$0x21] =	vst.msk $0xffff, v7;
	s18 =	sadd.s32 s24, s17  }
0x82: {  	v7 =	vld [tilespmem:s23+$0x40];
	[tilespmem:s18+$0x3180 ss:$0x21] =	vst.msk $0xffff, v1  }
0x83: {  	[tilespmem:s18+$0x0 ss:$0x21] =	vst.msk $0xffff, v2;
	v1 =	vld [tilespmem:s23+$0x50]  }
0x84: {  	[tilespmem:s18+$0x210 ss:$0x21] =	vst.msk $0xffff, v4;
	v2 =	vld [tilespmem:s23+$0x60]  }
0x85: {  	[tilespmem:s18+$0x420 ss:$0x21] =	vst.msk $0xffff, v5;
	v4 =	vld [tilespmem:s23+$0x70]  }
0x86: {  	[tilespmem:s18+$0x630 ss:$0x21] =	vst.msk $0xffff, v8;
	v5 =	vld [tilespmem:s23+$0x400]  }
0x87: {  	[tilespmem:s18+$0x840 ss:$0x21] =	vst.msk $0xffff, v7;
	v7 =	vld [tilespmem:s23+$0x800]  }
0x88: {  	[tilespmem:s18+$0xA50 ss:$0x21] =	vst.msk $0xffff, v1;
	v1 =	vld.idx.msk [tilespmem:v0+s16+$0x440 ss:$0x1], $0xffff  }
0x89: {  	[tilespmem:s18+$0xC60 ss:$0x21] =	vst.msk $0xffff, v2;
	v2 =	vld.idx.msk [tilespmem:v0+s16+$0x450 ss:$0x1], $0xffff  }
0x8a: {  	[tilespmem:s18+$0xE70 ss:$0x21] =	vst.msk $0xffff, v4;
	v4 =	vld.idx.msk [tilespmem:v0+s16+$0x460 ss:$0x1], $0xffff  }
0x8b: {  	[tilespmem:s18+$0x1080 ss:$0x21] =	vst.msk $0xffff, v5;
	v5 =	vld.idx.msk [tilespmem:v0+s16+$0x470 ss:$0x1], $0xffff  }
0x8c: {  	[tilespmem:s18+$0x2100 ss:$0x21] =	vst.msk $0xffff, v7;
	v8 =	vld.idx.msk [tilespmem:v0+s16+$0x810 ss:$0x1], $0xffff  }
0x8d: {  	[tilespmem:s18+$0x1290 ss:$0x21] =	vst.msk $0xffff, v9;
	v9 =	vld.idx.msk [tilespmem:v0+s16+$0x820 ss:$0x1], $0xffff  }
0x8e: {  	[tilespmem:s18+$0x14A0 ss:$0x21] =	vst.msk $0xffff, v6;
	v10 =	vld.idx.msk [tilespmem:v0+s16+$0x830 ss:$0x1], $0xffff  }
0x8f: {  	[tilespmem:s18+$0x16B0 ss:$0x21] =	vst.msk $0xffff, v3;
	v11 =	vld.idx.msk [tilespmem:v0+s16+$0x840 ss:$0x1], $0xffff  }
0x90: {  	[tilespmem:s18+$0x18C0 ss:$0x21] =	vst.msk $0xffff, v1;
	v12 =	vld.idx.msk [tilespmem:v0+s16+$0x850 ss:$0x1], $0xffff  }
0x91: {  	[tilespmem:s18+$0x1AD0 ss:$0x21] =	vst.msk $0xffff, v2;
	v7 =	vld.idx.msk [tilespmem:v0+s16+$0x860 ss:$0x1], $0xffff  }
0x92: {  	[tilespmem:s18+$0x1CE0 ss:$0x21] =	vst.msk $0xffff, v4;
	v6 =	vld.idx.msk [tilespmem:v0+s16+$0x870 ss:$0x1], $0xffff  }
0x93: {  	[tilespmem:s18+$0x1EF0 ss:$0x21] =	vst.msk $0xffff, v5;
	v3 =	vld.idx.msk [tilespmem:v0+s16+$0xC10 ss:$0x1], $0xffff  }
.Ltmp3:
0x94: {  	[tilespmem:s18+$0x2310 ss:$0x21] =	vst.msk $0xffff, v8;
	v1 =	vld.idx.msk [tilespmem:v0+s16+$0xC20 ss:$0x1], $0xffff;
	(pc) =	sbr.rel @p1 .LBB1_3-.Ltmp3, $4  }
0x95: {  	[tilespmem:s18+$0x2520 ss:$0x21] =	vst.msk $0xffff, v9;
	v2 =	vld.idx.msk [tilespmem:v0+s16+$0xC30 ss:$0x1], $0xffff  }
0x96: {  	[tilespmem:s18+$0x2730 ss:$0x21] =	vst.msk $0xffff, v10;
	v4 =	vld.idx.msk [tilespmem:v0+s16+$0xC40 ss:$0x1], $0xffff  }
0x97: {  	s20 =	sadd.s32 $0x80, s20;
	s21 =	sadd.s32 $0x200, s21;
	[tilespmem:s18+$0x2940 ss:$0x21] =	vst.msk $0xffff, v11;
	v5 =	vld.idx.msk [tilespmem:v0+s16+$0xC50 ss:$0x1], $0xffff  }
0x98: {  	s22 =	sadd.s32 $0x4, s22;
	s24 =	sand.u32 $0x380, s20;
	s23 =	sand.u32 $0x3000, s21;
	[tilespmem:s18+$0x2B50 ss:$0x21] =	vst.msk $0xffff, v12;
	v8 =	vld.idx.msk [tilespmem:v0+s16+$0xC60 ss:$0x1], $0xffff  }
.Ltmp4:
0x99: {  	_ = 	snop;
	(pc) =	sbr.rel .LBB1_4-.Ltmp4, $1  }
0x9a: {  	_ =	sdelay $0x3  }
.LBB1_6:
0x9b: {  	_ =	sfence.sel $0x180000  }
0x9c: {  	s2 =	simm.s32 $0x1;
	[bflag:$0x0] =	sbarrier.arrive $0xFFFF  }
0x9d: {  	s31 =	simm.s32 $0x2;
	[sflag:s2] =	ssyncpa.u1 $0x1  }
0x9e: {  	[sflag:s31] =	ssyncpa.u1 $0x1  }
0x9f: {  	p0 =	sne.s32 s0, $0x0;
	_ =	strace $0x90000047  }
0xa0: {  	s0 =	sadd.s32 @!p0 $0x100000, s1;
	[bflag:$0x2] =	sbarrier.arrive $0xFFFF  }
0xa1: {  	[sflag:s0] =	ssyncadd.tile.s32 @!p0 $0x1;
	_ =	shalt  }
.Lfunc_end1:
_tile_overlayer_lowered:
.L_overlay_start_2:
0xa2: {  	(tag) =	ssettag $0x2  }
0xa3: {  	s0 =	rddreg [dreg:$0x0];
	s2 =	stileid.u32  }
0xa4: {  	s1 =	rddreg [dreg:$0x1];
	p0 =	sne.s32 s2, $0x0  }
0xa5: {  	s3 =	rddreg [dreg:$0x2];
	[bflag:$0x3] =	sbarrier.arrive $0xFFFF;
	s2 =	simm.s32 @!p0 $0x1C01  }
0xa6: {  	[timem:s3], [sflag:s2] =	dma.local @!p0 [hbm:s0], s1  }
0xa7: {  	s0 =	simm.s32 @!p0 $0x1  }
0xa8: {  	_ =	swait.ge @!p0 [sflag:s0], s1  }
0xa9: {  	s1 =	ssub.s32 @!p0 $0x0, s1;
	[sflag:s0] =	ssyncset.done @!p0 $0x0  }
0xaa: {  	[sflag:s0] =	ssyncadd.s32 @!p0 s1  }
0xab: {  	[bflag:$0x3] =	sbarrier.arrive $0xFFFF  }
0xac: {  	_ =	shalt  }

</sc_bundles>
